<compile_context>
chip_gen: v7x
topology: tpu7x:2x2x1
jax: 0.10.2.dev20260603
libtpu: 0.0.44.dev20260713+nightly
codegen_flags: <defaults>
</compile_context>

<pallas_src>
import functools
import math

import jax
import jax.numpy as jnp
from jax import lax
from jax.experimental import pallas as pl
from jax.experimental.pallas import tpu as pltpu
from jax.experimental.pallas import tpu_sc as plsc

TOP_K = 2
CAP_FACTOR = 1.25
LANES = 128


def _router(flat, gwt_pad, N, E, CAP, TB):
    nblk = N // TB
    S_TOT = E * CAP
    f32 = jnp.float32

    def body(x_ref, gwt_ref, kept_ref, dst_ref, src_ref, gate_ref,
             carry, src_scr, gate_scr, fil_scr, dst_scr):
        gi = pl.program_id(0)

        @pl.when(gi == 0)
        def _init():
            carry[...] = jnp.zeros_like(carry)
            src_scr[...] = jnp.zeros_like(src_scr)
            gate_scr[...] = jnp.zeros_like(gate_scr)
            fil_scr[...] = jnp.zeros_like(fil_scr)
            dst_scr[...] = jnp.zeros_like(dst_scr)

        x = x_ref[...]
        logits = jnp.dot(x, gwt_ref[...], preferred_element_type=f32)
        lanef = lax.broadcasted_iota(jnp.int32, (TB, LANES), 1).astype(f32)
        logits = jnp.where(lanef < float(E), logits, -1e30)
        m = jnp.max(logits, axis=1, keepdims=True)
        ex = jnp.exp(logits - m)
        gates = ex / jnp.sum(ex, axis=1, keepdims=True)

        v1 = jnp.max(gates, axis=1, keepdims=True)
        i1 = jnp.min(jnp.where(gates == v1, lanef, 1e9), axis=1, keepdims=True)
        g2m = jnp.where(lanef == i1, -1.0, gates)
        v2 = jnp.max(g2m, axis=1, keepdims=True)
        i2 = jnp.min(jnp.where(g2m == v2, lanef, 1e9), axis=1, keepdims=True)

        maskf = ((lanef == i1) | (lanef == i2)).astype(f32)
        tri = (lax.broadcasted_iota(jnp.int32, (TB, TB), 0)
               >= lax.broadcasted_iota(jnp.int32, (TB, TB), 1)).astype(f32)
        csum = jnp.dot(tri, maskf, preferred_element_type=f32)
        posm = csum + carry[...] - 1.0
        carry[...] = carry[...] + csum[TB - 1:TB, :]

        pos1 = jnp.sum(jnp.where(lanef == i1, posm, 0.0), axis=1, keepdims=True)
        pos2 = jnp.sum(jnp.where(lanef == i2, posm, 0.0), axis=1, keepdims=True)
        kept1 = pos1 < float(CAP)
        kept2 = pos2 < float(CAP)
        s1 = i1 * float(CAP) + pos1
        s2 = i2 * float(CAP) + pos2

        kept_ref[...] = jnp.concatenate(
            [kept1.astype(f32), kept2.astype(f32)], axis=1).reshape(1, TB, 2)

        lane_s = lax.broadcasted_iota(jnp.int32, (TB, S_TOT), 1).astype(f32)
        oh1 = (lane_s == jnp.where(kept1, s1, -1.0)).astype(f32)
        oh2 = (lane_s == jnp.where(kept2, s2, -1.0)).astype(f32)
        ohall = oh1 + oh2

        tokcol = float(TB) * gi + lax.broadcasted_iota(jnp.int32, (TB, 1), 0).astype(f32)
        lhsA = jnp.concatenate([tokcol, jnp.ones((TB, 1), f32)], axis=1)
        dnum = (((0,), (0,)), ((), ()))
        accA = lax.dot_general(lhsA, ohall, dnum,
                               precision=lax.Precision.HIGHEST,
                               preferred_element_type=f32)
        src_scr[...] += accA[0:1, :]
        fil_scr[...] += accA[1:2, :]
        accB1 = lax.dot_general(jnp.concatenate([tokcol, v1], axis=1), oh1,
                                dnum, precision=lax.Precision.HIGHEST,
                                preferred_element_type=f32)
        accB2 = lax.dot_general(
            jnp.concatenate([tokcol + float(N + 8), v2], axis=1), oh2,
            dnum, precision=lax.Precision.HIGHEST, preferred_element_type=f32)
        dst_scr[...] += accB1[0:1, :] + accB2[0:1, :]
        gate_scr[...] += accB1[1:2, :] + accB2[1:2, :]

        @pl.when(gi == nblk - 1)
        def _fin():
            src_ref[...] = jnp.where(fil_scr[...] > 0.5,
                                     jnp.round(src_scr[...]),
                                     0.0).astype(jnp.int32)
            dst_ref[...] = jnp.where(fil_scr[...] > 0.5,
                                     jnp.round(dst_scr[...]),
                                     float(N)).astype(jnp.int32)
            gate_ref[...] = gate_scr[...]

    out_shapes = (
        jax.ShapeDtypeStruct((nblk, TB, 2), f32),
        jax.ShapeDtypeStruct((1, S_TOT), jnp.int32),
        jax.ShapeDtypeStruct((1, S_TOT), jnp.int32),
        jax.ShapeDtypeStruct((1, S_TOT), f32),
    )
    return pl.pallas_call(
        body,
        grid=(nblk,),
        in_specs=[
            pl.BlockSpec((TB, flat.shape[1]), lambda g: (g, 0)),
            pl.BlockSpec((flat.shape[1], LANES), lambda g: (0, 0)),
        ],
        out_specs=(
            pl.BlockSpec((1, TB, 2), lambda g: (g, 0, 0)),
            pl.BlockSpec((1, S_TOT), lambda g: (0, 0)),
            pl.BlockSpec((1, S_TOT), lambda g: (0, 0)),
            pl.BlockSpec((1, S_TOT), lambda g: (0, 0)),
        ),
        out_shape=out_shapes,
        scratch_shapes=[
            pltpu.VMEM((1, LANES), f32),
            pltpu.VMEM((1, S_TOT), f32),
            pltpu.VMEM((1, S_TOT), f32),
            pltpu.VMEM((1, S_TOT), f32),
            pltpu.VMEM((1, S_TOT), f32),
        ],
        compiler_params=pltpu.CompilerParams(
            dimension_semantics=("arbitrary",)),
    )(flat, gwt_pad)


def _make_dispatch(V, D, S_TOT, NC, NS):
    NW = NC * NS
    rows_per = S_TOT // NW
    mesh = plsc.VectorSubcoreMesh(core_axis_name="c", subcore_axis_name="s")

    @functools.partial(
        pl.kernel, mesh=mesh,
        out_type=jax.ShapeDtypeStruct((S_TOT, D), jnp.float32),
        scratch_types=[
            pltpu.VMEM((rows_per,), jnp.int32),
            pltpu.VMEM((rows_per, D), jnp.float32),
            pltpu.SemaphoreType.DMA,
        ],
    )
    def dispatch_k(table_hbm, idx_hbm, out_hbm, idx_v, rows_v, sem):
        wid = lax.axis_index("s") * NC + lax.axis_index("c")
        base = wid * rows_per
        pltpu.sync_copy(idx_hbm.at[pl.ds(base, rows_per)], idx_v)
        pltpu.async_copy(table_hbm.at[idx_v], rows_v, sem).wait()
        pltpu.sync_copy(rows_v, out_hbm.at[pl.ds(base, rows_per)])

    return dispatch_k


def _make_combine(N, D, S_TOT, NC, NS):
    NW = NC * NS
    rows_per = S_TOT // NW
    mesh = plsc.VectorSubcoreMesh(core_axis_name="c", subcore_axis_name="s")

    @functools.partial(
        pl.kernel, mesh=mesh,
        out_type=jax.ShapeDtypeStruct((2 * (N + 8), D), jnp.float32),
        scratch_types=[
            pltpu.VMEM((rows_per,), jnp.int32),
            pltpu.VMEM((rows_per, D), jnp.float32),
            pltpu.SemaphoreType.DMA,
        ],
    )
    def combine_k(rows_hbm, idx_hbm, out_hbm, idx_v, buf_v, sem):
        wid = lax.axis_index("s") * NC + lax.axis_index("c")
        base = wid * rows_per
        pltpu.sync_copy(idx_hbm.at[pl.ds(base, rows_per)], idx_v)
        pltpu.sync_copy(rows_hbm.at[pl.ds(base, rows_per)], buf_v)
        pltpu.async_copy(buf_v, out_hbm.at[idx_v], sem).wait()

    return combine_k


def _add_halves(rows2, kept, N, D, TB):
    def body(a_ref, b_ref, k_ref, o_ref):
        a = jnp.where(k_ref[:, 0:1] > 0.5, a_ref[0], 0.0)
        b = jnp.where(k_ref[:, 1:2] > 0.5, b_ref[0], 0.0)
        o_ref[...] = a + b

    return pl.pallas_call(
        body,
        grid=(N // TB,),
        in_specs=[pl.BlockSpec((1, TB, D), lambda g: (0, g, 0)),
                  pl.BlockSpec((1, TB, D), lambda g: (1, g, 0)),
                  pl.BlockSpec((TB, 2), lambda g: (g, 0))],
        out_specs=pl.BlockSpec((TB, D), lambda g: (g, 0)),
        out_shape=jax.ShapeDtypeStruct((N, D), jnp.float32),
    )(rows2, rows2, kept)


def _ffn(xin, W1, b1, W2, b2, gate_col, E, CAP, D, H, HBK):
    nh = H // HBK
    f32 = jnp.float32

    def body(x_ref, w1_ref, b1_ref, w2_ref, b2_ref, g_ref, out_ref, acc):
        hi = pl.program_id(1)
        bf16 = jnp.bfloat16
        x = x_ref[0].astype(bf16)
        hpre = lax.dot_general(x, w1_ref[0].astype(bf16),
                               (((1,), (1,)), ((), ())),
                               preferred_element_type=f32) + b1_ref[0]
        hact = 0.5 * hpre * (1.0 + lax.erf(hpre * (1.0 / math.sqrt(2.0))))
        part = lax.dot_general(hact.astype(bf16), w2_ref[0].astype(bf16),
                               (((1,), (1,)), ((), ())),
                               preferred_element_type=f32)

        @pl.when(hi == 0)
        def _z():
            acc[...] = jnp.zeros_like(acc)

        acc[...] += part

        @pl.when(hi == nh - 1)
        def _w():
            out_ref[...] = ((acc[...] + b2_ref[0]) * g_ref[0]
                            ).reshape(1, CAP, D)

    return pl.pallas_call(
        body,
        grid=(E, nh),
        in_specs=[
            pl.BlockSpec((1, CAP, D), lambda e, h: (e, 0, 0)),
            pl.BlockSpec((1, HBK, D), lambda e, h: (e, h, 0)),
            pl.BlockSpec((1, 1, HBK), lambda e, h: (e, 0, h)),
            pl.BlockSpec((1, D, HBK), lambda e, h: (e, 0, h)),
            pl.BlockSpec((1, 1, D), lambda e, h: (e, 0, 0)),
            pl.BlockSpec((1, CAP, 1), lambda e, h: (e, 0, 0)),
        ],
        out_specs=pl.BlockSpec((1, CAP, D), lambda e, h: (e, 0, 0)),
        out_shape=jax.ShapeDtypeStruct((E, CAP, D), f32),
        scratch_shapes=[pltpu.VMEM((CAP, D), f32)],
        compiler_params=pltpu.CompilerParams(
            dimension_semantics=("arbitrary", "arbitrary")),
    )(xin, W1, b1.reshape(E, 1, H), W2, b2.reshape(E, 1, D), gate_col)


def kernel(hidden_states, gate_W, W1, b1, W2, b2):
    Bh, Sh, D = hidden_states.shape
    N = Bh * Sh
    E = gate_W.shape[0]
    H = W1.shape[1]
    CAP = max(1, math.ceil(CAP_FACTOR * N / E))
    S_TOT = E * CAP
    TB = 256
    f32 = jnp.float32

    info = plsc.get_sparse_core_info()
    NC, NS = info.num_cores, info.num_subcores

    flat = hidden_states.reshape(N, D).astype(f32)
    gwt_pad = jnp.pad(gate_W.astype(f32).T, ((0, 0), (0, LANES - E)))

    kept, dst_idx, src_idx, gate_slot = _router(flat, gwt_pad, N, E, CAP, TB)

    dispatch_k = _make_dispatch(N, D, S_TOT, NC, NS)
    xin = dispatch_k(flat, src_idx.reshape(S_TOT))

    outg = _ffn(xin.reshape(E, CAP, D), W1.astype(f32), b1.astype(f32),
                W2.astype(f32), b2.astype(f32),
                gate_slot.reshape(E, CAP, 1), E, CAP, D, H, 512)

    combine_k = _make_combine(N, D, S_TOT, NC, NS)
    rows2 = combine_k(outg.reshape(S_TOT, D), dst_idx.reshape(S_TOT))
    final = _add_halves(rows2.reshape(2, N + 8, D), kept.reshape(N, 2),
                        N, D, TB)

    aux = jnp.zeros((), hidden_states.dtype)
    return final.reshape(Bh, Sh, D), aux

# --- scband reference (transcript-rebuilt; emitter-appended) ---
"""Pipeline reference for scband-sparse-mo-e-46471546143557 (READ-ONLY COPY).

The authoritative reference and input builder live on the scoring server;
editing this copy changes nothing except your own understanding.
"""

import math
import jax
import jax.numpy as jnp
import numpy as np

D = 1024
E = 8
TOP_K = 2
CAP_FACTOR = 1.25
B = 1
S = 2048
H = 4 * D


def setup_inputs(seed: int = 0):
    key = jax.random.key(seed)
    ks = jax.random.split(key, 5)
    hidden_states = jax.random.normal(ks[0], (B, S, D), dtype=jnp.float32)
    gate_W = jax.random.normal(ks[1], (E, D), dtype=jnp.float32) * (1.0 / math.sqrt(D))
    W1 = jax.random.normal(ks[2], (E, H, D), dtype=jnp.float32) * (1.0 / math.sqrt(D))
    b1 = jnp.zeros((E, H), dtype=jnp.float32)
    W2 = jax.random.normal(ks[3], (E, D, H), dtype=jnp.float32) * (1.0 / math.sqrt(H))
    b2 = jnp.zeros((E, D), dtype=jnp.float32)
    return {"hidden_states": hidden_states, "gate_W": gate_W, "W1": W1, "b1": b1, "W2": W2, "b2": b2}


def _moe_forward(hidden_states, gate_W, W1, b1, W2, b2):
    Bh, Sh, Dh = hidden_states.shape
    N = Bh * Sh
    flat = hidden_states.reshape(N, Dh)
    # NoisyTopkRouter in eval mode: no noise added
    logits = (flat @ gate_W.T).astype(jnp.float32)
    gates = jax.nn.softmax(logits, axis=-1)
    top_vals, top_idx = jax.lax.top_k(gates, TOP_K)
    top_vals = top_vals.astype(flat.dtype)
    capacity = max(1, math.ceil(CAP_FACTOR * N / E))
    rows = jnp.arange(N)[:, None]
    # expert_mask.scatter_(1, top_k_indices, True)
    expert_mask = jnp.zeros((N, E), dtype=bool).at[rows, top_idx].set(True)
    # capacity enforcement: cumulative position within each expert queue
    route_cumsum = jnp.cumsum(expert_mask.astype(jnp.int32), axis=0)
    route_position = route_cumsum * expert_mask.astype(jnp.int32) - 1
    keep_mask = (route_position < capacity) & expert_mask
    # dispatch one-hot [N, E, C]; one_hot(-1) and one_hot(>=C) are all-zero rows
    pos_oh = jax.nn.one_hot(route_position, capacity, dtype=flat.dtype)
    dispatch = pos_oh * keep_mask.astype(flat.dtype)[:, :, None]
    # gather kept tokens into per-expert buffers [E, C, D]
    expert_inputs = jnp.einsum('nec,nd->ecd', dispatch, flat)

    def expert_fn(xi, w1, bb1, w2, bb2):
        h = jax.nn.gelu(xi @ w1.T + bb1, approximate=False)
        return h @ w2.T + bb2

    expert_outputs = jax.vmap(expert_fn)(expert_inputs, W1, b1, W2, b2)
    # combine gates: gate value for each (token, expert) pair that passed capacity
    kept_k = keep_mask[rows, top_idx]
    gate_contrib = top_vals * kept_k.astype(top_vals.dtype)
    combine_gate = jnp.zeros((N, E), dtype=flat.dtype).at[rows, top_idx].add(gate_contrib)
    combine = dispatch * combine_gate[:, :, None]
    final = jnp.einsum('nec,ecd->nd', combine, expert_outputs)
    aux_loss = jnp.asarray(0.0, dtype=hidden_states.dtype)
    return final.reshape(Bh, Sh, Dh), aux_loss


def reference(hidden_states, gate_W, W1, b1, W2, b2):
    return _moe_forward(hidden_states, gate_W, W1, b1, W2, b2)

if __name__ == "__main__":
    import jax
    _d = setup_inputs()
    print(jax.jit(kernel)(*tuple(_d.values())))

</pallas_src>

<mosaic_0001>
#map = affine_map<(d0, d1) -> (0, 0)>
#map1 = affine_map<(d0, d1) -> (0)>
module attributes {stable_mosaic.version = 14 : i64} {
  func.func @dispatch_k(%arg0: i32, %arg1: i32, %arg2: memref<2048x1024xf32, #tpu.memory_space<hbm>>, %arg3: memref<2560xi32, #tpu.memory_space<hbm>>, %arg4: memref<2560x1024xf32, #tpu.memory_space<hbm>>, %arg5: memref<80xi32, #tpu.memory_space<vmem>>, %arg6: memref<80x1024xf32, #tpu.memory_space<vmem>>, %arg7: memref<!tpu.dma_semaphore, #tpu.memory_space<semaphore_mem>>) attributes {dimension_semantics = [#tpu.dimension_semantics<core_parallel>, #tpu.dimension_semantics<subcore_parallel>], iteration_bounds = array<i64: 2, 16>, scalar_prefetch = 0 : i64, scratch_operands = 3 : i64, tpu.core_type = #tpu.core_type<sc_vector_subcore>, window_params = [{transform_indices = #map}, {transform_indices = #map1}, {transform_indices = #map}]} {
    %mul3A = arith.constant 2 : i32
    %mul3A_0 = arith.muli %arg1, %mul3A : i32
    %add3A = arith.addi %mul3A_0, %arg0 : i32
    %mul3A_1 = arith.constant 80 : i32
    %mul3A_2 = arith.muli %add3A, %mul3A_1 : i32
    "tpu.region"() ({
      %run_scoped3A = tpu.sem_alloc : memref<!tpu.dma_semaphore, #tpu.memory_space<semaphore_mem>>
      %dma_start3A_7 = tpu.memref_slice %arg3[%mul3A_2] : memref<2560xi32, #tpu.memory_space<hbm>> -> memref<80xi32, #tpu.memory_space<hbm>>
      %dma_start3A_8 = tpu.memref_slice %arg3[%mul3A_2] : memref<2560xi32, #tpu.memory_space<hbm>> -> memref<80xi32, #tpu.memory_space<hbm>>
      tpu.enqueue_dma source(%dma_start3A_8 : memref<80xi32, #tpu.memory_space<hbm>>) target(%arg5 : memref<80xi32, #tpu.memory_space<vmem>>) target_semaphore(%run_scoped3A : memref<!tpu.dma_semaphore, #tpu.memory_space<semaphore_mem>>)
      %dma_wait3A_9 = tpu.memref_slice %arg3[%mul3A_2] : memref<2560xi32, #tpu.memory_space<hbm>> -> memref<80xi32, #tpu.memory_space<hbm>>
      %dma_wait3A_10 = tpu.memref_slice %arg3[%mul3A_2] : memref<2560xi32, #tpu.memory_space<hbm>> -> memref<80xi32, #tpu.memory_space<hbm>>
      tpu.wait_dma2 semaphore(%run_scoped3A : memref<!tpu.dma_semaphore, #tpu.memory_space<semaphore_mem>>) src(%dma_wait3A_10 : memref<80xi32, #tpu.memory_space<hbm>>) dst(%arg5 : memref<80xi32, #tpu.memory_space<vmem>>)
      tpu.yield
    }) : () -> ()
    %dma_start3A = arith.constant 0 : i32
    %dma_start3A_3 = arith.constant 0 : i32
    %dma_start3A_4 = tpu.memref_slice %arg2[%dma_start3A, %dma_start3A_3] : memref<2048x1024xf32, #tpu.memory_space<hbm>> -> memref<2048x1024xf32, #tpu.memory_space<hbm>>
    tpu.enqueue_indirect_dma source(%dma_start3A_4 : memref<2048x1024xf32, #tpu.memory_space<hbm>>) target(%arg6 : memref<80x1024xf32, #tpu.memory_space<vmem>>) offsets(%arg5 : memref<80xi32, #tpu.memory_space<vmem>>) semaphore(%arg7 : memref<!tpu.dma_semaphore, #tpu.memory_space<semaphore_mem>>)
    %dma_wait3A = arith.constant 0 : i32
    %dma_wait3A_5 = arith.constant 0 : i32
    %dma_wait3A_6 = tpu.memref_slice %arg2[%dma_wait3A, %dma_wait3A_5] : memref<2048x1024xf32, #tpu.memory_space<hbm>> -> memref<2048x1024xf32, #tpu.memory_space<hbm>>
    tpu.wait_indirect_dma semaphore(%arg7 : memref<!tpu.dma_semaphore, #tpu.memory_space<semaphore_mem>>) src(%dma_wait3A_6 : memref<2048x1024xf32, #tpu.memory_space<hbm>>) dst(%arg6 : memref<80x1024xf32, #tpu.memory_space<vmem>>)
    "tpu.region"() ({
      %run_scoped3A = tpu.sem_alloc : memref<!tpu.dma_semaphore, #tpu.memory_space<semaphore_mem>>
      %dma_start3A_7 = arith.constant 0 : i32
      %dma_start3A_8 = tpu.memref_slice %arg4[%mul3A_2, %dma_start3A_7] : memref<2560x1024xf32, #tpu.memory_space<hbm>> -> memref<80x1024xf32, #tpu.memory_space<hbm>>
      %dma_start3A_9 = arith.constant 0 : i32
      %dma_start3A_10 = tpu.memref_slice %arg4[%mul3A_2, %dma_start3A_9] : memref<2560x1024xf32, #tpu.memory_space<hbm>> -> memref<80x1024xf32, #tpu.memory_space<hbm>>
      tpu.enqueue_dma source(%arg6 : memref<80x1024xf32, #tpu.memory_space<vmem>>) target(%dma_start3A_10 : memref<80x1024xf32, #tpu.memory_space<hbm>>) target_semaphore(%run_scoped3A : memref<!tpu.dma_semaphore, #tpu.memory_space<semaphore_mem>>)
      %dma_wait3A_11 = arith.constant 0 : i32
      %dma_wait3A_12 = tpu.memref_slice %arg4[%mul3A_2, %dma_wait3A_11] : memref<2560x1024xf32, #tpu.memory_space<hbm>> -> memref<80x1024xf32, #tpu.memory_space<hbm>>
      %dma_wait3A_13 = arith.constant 0 : i32
      %dma_wait3A_14 = tpu.memref_slice %arg4[%mul3A_2, %dma_wait3A_13] : memref<2560x1024xf32, #tpu.memory_space<hbm>> -> memref<80x1024xf32, #tpu.memory_space<hbm>>
      tpu.wait_dma2 semaphore(%run_scoped3A : memref<!tpu.dma_semaphore, #tpu.memory_space<semaphore_mem>>) src(%arg6 : memref<80x1024xf32, #tpu.memory_space<vmem>>) dst(%dma_wait3A_14 : memref<80x1024xf32, #tpu.memory_space<hbm>>)
      tpu.yield
    }) : () -> ()
    return
  }
}

#map = affine_map<(d0, d1) -> (0, 0)>
#map1 = affine_map<(d0, d1) -> (0)>
module attributes {stable_mosaic.version = 14 : i64} {
  func.func @combine_k(%arg0: i32, %arg1: i32, %arg2: memref<2560x1024xf32, #tpu.memory_space<hbm>>, %arg3: memref<2560xi32, #tpu.memory_space<hbm>>, %arg4: memref<4112x1024xf32, #tpu.memory_space<hbm>>, %arg5: memref<80xi32, #tpu.memory_space<vmem>>, %arg6: memref<80x1024xf32, #tpu.memory_space<vmem>>, %arg7: memref<!tpu.dma_semaphore, #tpu.memory_space<semaphore_mem>>) attributes {dimension_semantics = [#tpu.dimension_semantics<core_parallel>, #tpu.dimension_semantics<subcore_parallel>], iteration_bounds = array<i64: 2, 16>, scalar_prefetch = 0 : i64, scratch_operands = 3 : i64, tpu.core_type = #tpu.core_type<sc_vector_subcore>, window_params = [{transform_indices = #map}, {transform_indices = #map1}, {transform_indices = #map}]} {
    %mul3A = arith.constant 2 : i32
    %mul3A_0 = arith.muli %arg1, %mul3A : i32
    %add3A = arith.addi %mul3A_0, %arg0 : i32
    %mul3A_1 = arith.constant 80 : i32
    %mul3A_2 = arith.muli %add3A, %mul3A_1 : i32
    "tpu.region"() ({
      %run_scoped3A = tpu.sem_alloc : memref<!tpu.dma_semaphore, #tpu.memory_space<semaphore_mem>>
      %dma_start3A_7 = tpu.memref_slice %arg3[%mul3A_2] : memref<2560xi32, #tpu.memory_space<hbm>> -> memref<80xi32, #tpu.memory_space<hbm>>
      %dma_start3A_8 = tpu.memref_slice %arg3[%mul3A_2] : memref<2560xi32, #tpu.memory_space<hbm>> -> memref<80xi32, #tpu.memory_space<hbm>>
      tpu.enqueue_dma source(%dma_start3A_8 : memref<80xi32, #tpu.memory_space<hbm>>) target(%arg5 : memref<80xi32, #tpu.memory_space<vmem>>) target_semaphore(%run_scoped3A : memref<!tpu.dma_semaphore, #tpu.memory_space<semaphore_mem>>)
      %dma_wait3A_9 = tpu.memref_slice %arg3[%mul3A_2] : memref<2560xi32, #tpu.memory_space<hbm>> -> memref<80xi32, #tpu.memory_space<hbm>>
      %dma_wait3A_10 = tpu.memref_slice %arg3[%mul3A_2] : memref<2560xi32, #tpu.memory_space<hbm>> -> memref<80xi32, #tpu.memory_space<hbm>>
      tpu.wait_dma2 semaphore(%run_scoped3A : memref<!tpu.dma_semaphore, #tpu.memory_space<semaphore_mem>>) src(%dma_wait3A_10 : memref<80xi32, #tpu.memory_space<hbm>>) dst(%arg5 : memref<80xi32, #tpu.memory_space<vmem>>)
      tpu.yield
    }) : () -> ()
    "tpu.region"() ({
      %run_scoped3A = tpu.sem_alloc : memref<!tpu.dma_semaphore, #tpu.memory_space<semaphore_mem>>
      %dma_start3A_7 = arith.constant 0 : i32
      %dma_start3A_8 = tpu.memref_slice %arg2[%mul3A_2, %dma_start3A_7] : memref<2560x1024xf32, #tpu.memory_space<hbm>> -> memref<80x1024xf32, #tpu.memory_space<hbm>>
      %dma_start3A_9 = arith.constant 0 : i32
      %dma_start3A_10 = tpu.memref_slice %arg2[%mul3A_2, %dma_start3A_9] : memref<2560x1024xf32, #tpu.memory_space<hbm>> -> memref<80x1024xf32, #tpu.memory_space<hbm>>
      tpu.enqueue_dma source(%dma_start3A_10 : memref<80x1024xf32, #tpu.memory_space<hbm>>) target(%arg6 : memref<80x1024xf32, #tpu.memory_space<vmem>>) target_semaphore(%run_scoped3A : memref<!tpu.dma_semaphore, #tpu.memory_space<semaphore_mem>>)
      %dma_wait3A_11 = arith.constant 0 : i32
      %dma_wait3A_12 = tpu.memref_slice %arg2[%mul3A_2, %dma_wait3A_11] : memref<2560x1024xf32, #tpu.memory_space<hbm>> -> memref<80x1024xf32, #tpu.memory_space<hbm>>
      %dma_wait3A_13 = arith.constant 0 : i32
      %dma_wait3A_14 = tpu.memref_slice %arg2[%mul3A_2, %dma_wait3A_13] : memref<2560x1024xf32, #tpu.memory_space<hbm>> -> memref<80x1024xf32, #tpu.memory_space<hbm>>
      tpu.wait_dma2 semaphore(%run_scoped3A : memref<!tpu.dma_semaphore, #tpu.memory_space<semaphore_mem>>) src(%dma_wait3A_14 : memref<80x1024xf32, #tpu.memory_space<hbm>>) dst(%arg6 : memref<80x1024xf32, #tpu.memory_space<vmem>>)
      tpu.yield
    }) : () -> ()
    %dma_start3A = arith.constant 0 : i32
    %dma_start3A_3 = arith.constant 0 : i32
    %dma_start3A_4 = tpu.memref_slice %arg4[%dma_start3A, %dma_start3A_3] : memref<4112x1024xf32, #tpu.memory_space<hbm>> -> memref<4112x1024xf32, #tpu.memory_space<hbm>>
    tpu.enqueue_indirect_dma source(%arg6 : memref<80x1024xf32, #tpu.memory_space<vmem>>) target(%dma_start3A_4 : memref<4112x1024xf32, #tpu.memory_space<hbm>>) offsets(%arg5 : memref<80xi32, #tpu.memory_space<vmem>>) semaphore(%arg7 : memref<!tpu.dma_semaphore, #tpu.memory_space<semaphore_mem>>)
    %dma_wait3A = arith.constant 0 : i32
    %dma_wait3A_5 = arith.constant 0 : i32
    %dma_wait3A_6 = tpu.memref_slice %arg4[%dma_wait3A, %dma_wait3A_5] : memref<4112x1024xf32, #tpu.memory_space<hbm>> -> memref<4112x1024xf32, #tpu.memory_space<hbm>>
    tpu.wait_indirect_dma semaphore(%arg7 : memref<!tpu.dma_semaphore, #tpu.memory_space<semaphore_mem>>) src(%arg6 : memref<80x1024xf32, #tpu.memory_space<vmem>>) dst(%dma_wait3A_6 : memref<4112x1024xf32, #tpu.memory_space<hbm>>)
    return
  }
}

module attributes {stable_mosaic.version = 14 : i64} {
  func.func @body(%arg0: i32, %arg1: memref<256x1024xf32, #tpu.memory_space<vmem>>, %arg2: memref<1024x128xf32, #tpu.memory_space<vmem>>, %arg3: memref<1x256x2xf32, #tpu.memory_space<vmem>>, %arg4: memref<1x2560xi32, #tpu.memory_space<vmem>>, %arg5: memref<1x2560xi32, #tpu.memory_space<vmem>>, %arg6: memref<1x2560xf32, #tpu.memory_space<vmem>>, %arg7: memref<1x128xf32, #tpu.memory_space<vmem>>, %arg8: memref<1x2560xf32, #tpu.memory_space<vmem>>, %arg9: memref<1x2560xf32, #tpu.memory_space<vmem>>, %arg10: memref<1x2560xf32, #tpu.memory_space<vmem>>, %arg11: memref<1x2560xf32, #tpu.memory_space<vmem>>) attributes {dimension_semantics = [#tpu.dimension_semantics<arbitrary>], iteration_bounds = array<i64: 8>, scalar_prefetch = 0 : i64, scratch_operands = 5 : i64, tpu.core_type = #tpu.core_type<tc>, window_params = [{transform_indices = @transform_0, window_bounds = array<i64: 256, 1024>}, {pipeline_mode = #tpu.pipeline_mode<synchronous>, transform_indices = @transform_1, window_bounds = array<i64: 1024, 128>}, {transform_indices = @transform_2, window_bounds = array<i64: 1, 256, 2>}, {pipeline_mode = #tpu.pipeline_mode<synchronous>, transform_indices = @transform_3, window_bounds = array<i64: 1, 2560>}, {pipeline_mode = #tpu.pipeline_mode<synchronous>, transform_indices = @transform_4, window_bounds = array<i64: 1, 2560>}, {pipeline_mode = #tpu.pipeline_mode<synchronous>, transform_indices = @transform_5, window_bounds = array<i64: 1, 2560>}]} {
    %eq3A = arith.constant 0 : i32
    %eq3A_0 = arith.cmpi eq, %arg0, %eq3A : i32
    %convert_element_type3A = arith.extui %eq3A_0 : i1 to i32
    %cond3A = arith.constant 0 : i32
    %cond3A_1 = arith.cmpi ne, %convert_element_type3A, %cond3A : i32
    scf.if %cond3A_1 {
      %broadcast_in_dim3A_184 = arith.constant 0.000000e+00 : f32
      %broadcast_in_dim3A_185 = vector.broadcast %broadcast_in_dim3A_184 : f32 to vector<1x128xf32>
      %swap3A_186 = arith.constant 0 : index
      %swap3A_187 = arith.constant 0 : index
      %swap3A_188 = vector.load %arg7[%swap3A_186, %swap3A_187] : memref<1x128xf32, #tpu.memory_space<vmem>>, vector<1x128xf32>
      tpu.vector_store %arg7[%swap3A_186, %swap3A_187], %broadcast_in_dim3A_185 {strides = array<i32>} : memref<1x128xf32, #tpu.memory_space<vmem>>, vector<1x128xf32>,
      %broadcast_in_dim3A_189 = arith.constant 0.000000e+00 : f32
      %broadcast_in_dim3A_190 = vector.broadcast %broadcast_in_dim3A_189 : f32 to vector<1x2560xf32>
      %swap3A_191 = arith.constant 0 : index
      %swap3A_192 = arith.constant 0 : index
      %swap3A_193 = vector.load %arg8[%swap3A_191, %swap3A_192] : memref<1x2560xf32, #tpu.memory_space<vmem>>, vector<1x2560xf32>
      tpu.vector_store %arg8[%swap3A_191, %swap3A_192], %broadcast_in_dim3A_190 {strides = array<i32>} : memref<1x2560xf32, #tpu.memory_space<vmem>>, vector<1x2560xf32>,
      %broadcast_in_dim3A_194 = arith.constant 0.000000e+00 : f32
      %broadcast_in_dim3A_195 = vector.broadcast %broadcast_in_dim3A_194 : f32 to vector<1x2560xf32>
      %swap3A_196 = arith.constant 0 : index
      %swap3A_197 = arith.constant 0 : index
      %swap3A_198 = vector.load %arg9[%swap3A_196, %swap3A_197] : memref<1x2560xf32, #tpu.memory_space<vmem>>, vector<1x2560xf32>
      tpu.vector_store %arg9[%swap3A_196, %swap3A_197], %broadcast_in_dim3A_195 {strides = array<i32>} : memref<1x2560xf32, #tpu.memory_space<vmem>>, vector<1x2560xf32>,
      %broadcast_in_dim3A_199 = arith.constant 0.000000e+00 : f32
      %broadcast_in_dim3A_200 = vector.broadcast %broadcast_in_dim3A_199 : f32 to vector<1x2560xf32>
      %swap3A_201 = arith.constant 0 : index
      %swap3A_202 = arith.constant 0 : index
      %swap3A_203 = vector.load %arg10[%swap3A_201, %swap3A_202] : memref<1x2560xf32, #tpu.memory_space<vmem>>, vector<1x2560xf32>
      tpu.vector_store %arg10[%swap3A_201, %swap3A_202], %broadcast_in_dim3A_200 {strides = array<i32>} : memref<1x2560xf32, #tpu.memory_space<vmem>>, vector<1x2560xf32>,
      %broadcast_in_dim3A_204 = arith.constant 0.000000e+00 : f32
      %broadcast_in_dim3A_205 = vector.broadcast %broadcast_in_dim3A_204 : f32 to vector<1x2560xf32>
      %swap3A_206 = arith.constant 0 : index
      %swap3A_207 = arith.constant 0 : index
      %swap3A_208 = vector.load %arg11[%swap3A_206, %swap3A_207] : memref<1x2560xf32, #tpu.memory_space<vmem>>, vector<1x2560xf32>
      tpu.vector_store %arg11[%swap3A_206, %swap3A_207], %broadcast_in_dim3A_205 {strides = array<i32>} : memref<1x2560xf32, #tpu.memory_space<vmem>>, vector<1x2560xf32>,
    } else {
    }
    %get3A = arith.constant 0 : index
    %get3A_2 = arith.constant 0 : index
    %get3A_3 = vector.load %arg1[%get3A, %get3A_2] : memref<256x1024xf32, #tpu.memory_space<vmem>>, vector<256x1024xf32>
    %get3A_4 = arith.constant 0 : index
    %get3A_5 = arith.constant 0 : index
    %get3A_6 = vector.load %arg2[%get3A_4, %get3A_5] : memref<1024x128xf32, #tpu.memory_space<vmem>>, vector<1024x128xf32>
    %dot_general3A = arith.constant dense<0.000000e+00> : vector<256x128xf32>
    %dot_general3A_7 = tpu.matmul %get3A_3, %get3A_6, %dot_general3A {dimension_numbers = #tpu.dot_dimension_numbers<[1], [0], [0], [1], [0, 0, 1, 1], [], []>, transpose_lhs_hint = false} : vector<256x1024xf32>, vector<1024x128xf32>, vector<256x128xf32> -> vector<256x128xf32>
    %iota3A = tpu.iota {dimensions = array<i32: 1>} : vector<256x128xi32>
    %convert_element_type3A_8 = arith.sitofp %iota3A : vector<256x128xi32> to vector<256x128xf32>
    %lt3A = arith.constant 8.000000e+00 : f32
    %lt3A_9 = vector.broadcast %lt3A : f32 to vector<256x128xf32>
    %lt3A_10 = arith.cmpf olt, %convert_element_type3A_8, %lt3A_9 : vector<256x128xf32>
    %jit3A = arith.constant -1.000000e+30 : f32
    %broadcast_in_dim3A = vector.broadcast %jit3A : f32 to vector<256x128xf32>
    %select_n3A = arith.select %lt3A_10, %dot_general3A_7, %broadcast_in_dim3A : vector<256x128xi1>, vector<256x128xf32>
    %reduce_max3A = arith.constant dense<0xFF800000> : vector<256xf32>
    %reduce_max3A_11 = vector.multi_reduction <maximumf>, %select_n3A, %reduce_max3A [1] : vector<256x128xf32> to vector<256xf32>
    %broadcast_in_dim3A_12 = vector.shape_cast %reduce_max3A_11 : vector<256xf32> to vector<256x1xf32>
    %sub3A = vector.broadcast %broadcast_in_dim3A_12 : vector<256x1xf32> to vector<256x128xf32>
    %sub3A_13 = arith.subf %select_n3A, %sub3A : vector<256x128xf32>
    %exp3A = math.exp %sub3A_13 : vector<256x128xf32>
    %reduce_sum3A = arith.constant dense<0.000000e+00> : vector<256xf32>
    %reduce_sum3A_14 = vector.multi_reduction <add>, %exp3A, %reduce_sum3A [1] : vector<256x128xf32> to vector<256xf32>
    %broadcast_in_dim3A_15 = vector.shape_cast %reduce_sum3A_14 : vector<256xf32> to vector<256x1xf32>
    %div3A = vector.broadcast %broadcast_in_dim3A_15 : vector<256x1xf32> to vector<256x128xf32>
    %div3A_16 = arith.divf %exp3A, %div3A : vector<256x128xf32>
    %reduce_max3A_17 = arith.constant dense<0xFF800000> : vector<256xf32>
    %reduce_max3A_18 = vector.multi_reduction <maximumf>, %div3A_16, %reduce_max3A_17 [1] : vector<256x128xf32> to vector<256xf32>
    %broadcast_in_dim3A_19 = vector.shape_cast %reduce_max3A_18 : vector<256xf32> to vector<256x1xf32>
    %eq3A_20 = vector.broadcast %broadcast_in_dim3A_19 : vector<256x1xf32> to vector<256x128xf32>
    %eq3A_21 = arith.cmpf oeq, %div3A_16, %eq3A_20 : vector<256x128xf32>
    %jit3A_22 = arith.constant 1.000000e+09 : f32
    %broadcast_in_dim3A_23 = vector.broadcast %jit3A_22 : f32 to vector<256x128xf32>
    %select_n3A_24 = arith.select %eq3A_21, %convert_element_type3A_8, %broadcast_in_dim3A_23 : vector<256x128xi1>, vector<256x128xf32>
    %reduce_min3A = arith.constant dense<0x7F800000> : vector<256xf32>
    %reduce_min3A_25 = vector.multi_reduction <minimumf>, %select_n3A_24, %reduce_min3A [1] : vector<256x128xf32> to vector<256xf32>
    %broadcast_in_dim3A_26 = vector.shape_cast %reduce_min3A_25 : vector<256xf32> to vector<256x1xf32>
    %eq3A_27 = vector.broadcast %broadcast_in_dim3A_26 : vector<256x1xf32> to vector<256x128xf32>
    %eq3A_28 = arith.cmpf oeq, %convert_element_type3A_8, %eq3A_27 : vector<256x128xf32>
    %jit3A_29 = arith.constant -1.000000e+00 : f32
    %broadcast_in_dim3A_30 = vector.broadcast %jit3A_29 : f32 to vector<256x128xf32>
    %select_n3A_31 = arith.select %eq3A_28, %broadcast_in_dim3A_30, %div3A_16 : vector<256x128xi1>, vector<256x128xf32>
    %reduce_max3A_32 = arith.constant dense<0xFF800000> : vector<256xf32>
    %reduce_max3A_33 = vector.multi_reduction <maximumf>, %select_n3A_31, %reduce_max3A_32 [1] : vector<256x128xf32> to vector<256xf32>
    %broadcast_in_dim3A_34 = vector.shape_cast %reduce_max3A_33 : vector<256xf32> to vector<256x1xf32>
    %eq3A_35 = vector.broadcast %broadcast_in_dim3A_34 : vector<256x1xf32> to vector<256x128xf32>
    %eq3A_36 = arith.cmpf oeq, %select_n3A_31, %eq3A_35 : vector<256x128xf32>
    %jit3A_37 = arith.constant 1.000000e+09 : f32
    %broadcast_in_dim3A_38 = vector.broadcast %jit3A_37 : f32 to vector<256x128xf32>
    %select_n3A_39 = arith.select %eq3A_36, %convert_element_type3A_8, %broadcast_in_dim3A_38 : vector<256x128xi1>, vector<256x128xf32>
    %reduce_min3A_40 = arith.constant dense<0x7F800000> : vector<256xf32>
    %reduce_min3A_41 = vector.multi_reduction <minimumf>, %select_n3A_39, %reduce_min3A_40 [1] : vector<256x128xf32> to vector<256xf32>
    %broadcast_in_dim3A_42 = vector.shape_cast %reduce_min3A_41 : vector<256xf32> to vector<256x1xf32>
    %eq3A_43 = vector.broadcast %broadcast_in_dim3A_26 : vector<256x1xf32> to vector<256x128xf32>
    %eq3A_44 = arith.cmpf oeq, %convert_element_type3A_8, %eq3A_43 : vector<256x128xf32>
    %eq3A_45 = vector.broadcast %broadcast_in_dim3A_42 : vector<256x1xf32> to vector<256x128xf32>
    %eq3A_46 = arith.cmpf oeq, %convert_element_type3A_8, %eq3A_45 : vector<256x128xf32>
    %or3A = arith.ori %eq3A_44, %eq3A_46 : vector<256x128xi1>
    %convert_element_type3A_47 = arith.extui %or3A : vector<256x128xi1> to vector<256x128xi32>
    %convert_element_type3A_48 = arith.sitofp %convert_element_type3A_47 : vector<256x128xi32> to vector<256x128xf32>
    %iota3A_49 = tpu.iota {dimensions = array<i32: 0>} : vector<256x256xi32>
    %iota3A_50 = tpu.iota {dimensions = array<i32: 1>} : vector<256x256xi32>
    %ge3A = arith.cmpi sge, %iota3A_49, %iota3A_50 : vector<256x256xi32>
    %convert_element_type3A_51 = arith.extui %ge3A : vector<256x256xi1> to vector<256x256xi32>
    %convert_element_type3A_52 = arith.sitofp %convert_element_type3A_51 : vector<256x256xi32> to vector<256x256xf32>
    %dot_general3A_53 = arith.constant dense<0.000000e+00> : vector<256x128xf32>
    %dot_general3A_54 = tpu.matmul %convert_element_type3A_52, %convert_element_type3A_48, %dot_general3A_53 {dimension_numbers = #tpu.dot_dimension_numbers<[1], [0], [0], [1], [0, 0, 1, 1], [], []>, transpose_lhs_hint = false} : vector<256x256xf32>, vector<256x128xf32>, vector<256x128xf32> -> vector<256x128xf32>
    %get3A_55 = arith.constant 0 : index
    %get3A_56 = arith.constant 0 : index
    %get3A_57 = vector.load %arg7[%get3A_55, %get3A_56] : memref<1x128xf32, #tpu.memory_space<vmem>>, vector<1x128xf32>
    %add3A = vector.broadcast %get3A_57 : vector<1x128xf32> to vector<256x128xf32>
    %add3A_58 = arith.addf %dot_general3A_54, %add3A : vector<256x128xf32>
    %sub3A_59 = arith.constant 1.000000e+00 : f32
    %sub3A_60 = vector.broadcast %sub3A_59 : f32 to vector<256x128xf32>
    %sub3A_61 = arith.subf %add3A_58, %sub3A_60 : vector<256x128xf32>
    %get3A_62 = arith.constant 0 : index
    %get3A_63 = arith.constant 0 : index
    %get3A_64 = vector.load %arg7[%get3A_62, %get3A_63] : memref<1x128xf32, #tpu.memory_space<vmem>>, vector<1x128xf32>
    %slice3A = vector.extract_strided_slice %dot_general3A_54 {offsets = [255, 0], sizes = [1, 128], strides = [1, 1]} : vector<256x128xf32> to vector<1x128xf32>
    %add3A_65 = arith.addf %get3A_64, %slice3A : vector<1x128xf32>
    %swap3A = arith.constant 0 : index
    %swap3A_66 = arith.constant 0 : index
    %swap3A_67 = vector.load %arg7[%swap3A, %swap3A_66] : memref<1x128xf32, #tpu.memory_space<vmem>>, vector<1x128xf32>
    tpu.vector_store %arg7[%swap3A, %swap3A_66], %add3A_65 {strides = array<i32>} : memref<1x128xf32, #tpu.memory_space<vmem>>, vector<1x128xf32>,
    %eq3A_68 = vector.broadcast %broadcast_in_dim3A_26 : vector<256x1xf32> to vector<256x128xf32>
    %eq3A_69 = arith.cmpf oeq, %convert_element_type3A_8, %eq3A_68 : vector<256x128xf32>
    %jit3A_70 = arith.constant 0.000000e+00 : f32
    %broadcast_in_dim3A_71 = vector.broadcast %jit3A_70 : f32 to vector<256x128xf32>
    %select_n3A_72 = arith.select %eq3A_69, %sub3A_61, %broadcast_in_dim3A_71 : vector<256x128xi1>, vector<256x128xf32>
    %reduce_sum3A_73 = arith.constant dense<0.000000e+00> : vector<256xf32>
    %reduce_sum3A_74 = vector.multi_reduction <add>, %select_n3A_72, %reduce_sum3A_73 [1] : vector<256x128xf32> to vector<256xf32>
    %broadcast_in_dim3A_75 = vector.shape_cast %reduce_sum3A_74 : vector<256xf32> to vector<256x1xf32>
    %eq3A_76 = vector.broadcast %broadcast_in_dim3A_42 : vector<256x1xf32> to vector<256x128xf32>
    %eq3A_77 = arith.cmpf oeq, %convert_element_type3A_8, %eq3A_76 : vector<256x128xf32>
    %jit3A_78 = arith.constant 0.000000e+00 : f32
    %broadcast_in_dim3A_79 = vector.broadcast %jit3A_78 : f32 to vector<256x128xf32>
    %select_n3A_80 = arith.select %eq3A_77, %sub3A_61, %broadcast_in_dim3A_79 : vector<256x128xi1>, vector<256x128xf32>
    %reduce_sum3A_81 = arith.constant dense<0.000000e+00> : vector<256xf32>
    %reduce_sum3A_82 = vector.multi_reduction <add>, %select_n3A_80, %reduce_sum3A_81 [1] : vector<256x128xf32> to vector<256xf32>
    %broadcast_in_dim3A_83 = vector.shape_cast %reduce_sum3A_82 : vector<256xf32> to vector<256x1xf32>
    %lt3A_84 = arith.constant 3.200000e+02 : f32
    %lt3A_85 = vector.broadcast %lt3A_84 : f32 to vector<256x1xf32>
    %lt3A_86 = arith.cmpf olt, %broadcast_in_dim3A_75, %lt3A_85 : vector<256x1xf32>
    %lt3A_87 = arith.constant 3.200000e+02 : f32
    %lt3A_88 = vector.broadcast %lt3A_87 : f32 to vector<256x1xf32>
    %lt3A_89 = arith.cmpf olt, %broadcast_in_dim3A_83, %lt3A_88 : vector<256x1xf32>
    %mul3A = arith.constant 3.200000e+02 : f32
    %mul3A_90 = vector.broadcast %mul3A : f32 to vector<256x1xf32>
    %mul3A_91 = arith.mulf %broadcast_in_dim3A_26, %mul3A_90 : vector<256x1xf32>
    %add3A_92 = arith.addf %mul3A_91, %broadcast_in_dim3A_75 : vector<256x1xf32>
    %mul3A_93 = arith.constant 3.200000e+02 : f32
    %mul3A_94 = vector.broadcast %mul3A_93 : f32 to vector<256x1xf32>
    %mul3A_95 = arith.mulf %broadcast_in_dim3A_42, %mul3A_94 : vector<256x1xf32>
    %add3A_96 = arith.addf %mul3A_95, %broadcast_in_dim3A_83 : vector<256x1xf32>
    %convert_element_type3A_97 = arith.extui %lt3A_86 : vector<256x1xi1> to vector<256x1xi32>
    %convert_element_type3A_98 = arith.sitofp %convert_element_type3A_97 : vector<256x1xi32> to vector<256x1xf32>
    %convert_element_type3A_99 = arith.extui %lt3A_89 : vector<256x1xi1> to vector<256x1xi32>
    %convert_element_type3A_100 = arith.sitofp %convert_element_type3A_99 : vector<256x1xi32> to vector<256x1xf32>
    %concatenate3A = tpu.concatenate %convert_element_type3A_98, %convert_element_type3A_100 in 1 : vector<256x1xf32>, vector<256x1xf32> -> vector<256x2xf32>
    %reshape3A = vector.shape_cast %concatenate3A : vector<256x2xf32> to vector<1x256x2xf32>
    %swap3A_101 = arith.constant 0 : index
    %swap3A_102 = arith.constant 0 : index
    %swap3A_103 = arith.constant 0 : index
    %swap3A_104 = vector.load %arg3[%swap3A_101, %swap3A_102, %swap3A_103] : memref<1x256x2xf32, #tpu.memory_space<vmem>>, vector<1x256x2xf32>
    tpu.vector_store %arg3[%swap3A_101, %swap3A_102, %swap3A_103], %reshape3A {strides = array<i32>} : memref<1x256x2xf32, #tpu.memory_space<vmem>>, vector<1x256x2xf32>,
    %iota3A_105 = tpu.iota {dimensions = array<i32: 1>} : vector<256x2560xi32>
    %convert_element_type3A_106 = arith.sitofp %iota3A_105 : vector<256x2560xi32> to vector<256x2560xf32>
    %jit3A_107 = arith.constant -1.000000e+00 : f32
    %broadcast_in_dim3A_108 = vector.broadcast %jit3A_107 : f32 to vector<256x1xf32>
    %select_n3A_109 = arith.select %lt3A_86, %add3A_92, %broadcast_in_dim3A_108 : vector<256x1xi1>, vector<256x1xf32>
    %eq3A_110 = vector.broadcast %select_n3A_109 : vector<256x1xf32> to vector<256x2560xf32>
    %eq3A_111 = arith.cmpf oeq, %convert_element_type3A_106, %eq3A_110 : vector<256x2560xf32>
    %convert_element_type3A_112 = arith.extui %eq3A_111 : vector<256x2560xi1> to vector<256x2560xi32>
    %convert_element_type3A_113 = arith.sitofp %convert_element_type3A_112 : vector<256x2560xi32> to vector<256x2560xf32>
    %jit3A_114 = arith.constant -1.000000e+00 : f32
    %broadcast_in_dim3A_115 = vector.broadcast %jit3A_114 : f32 to vector<256x1xf32>
    %select_n3A_116 = arith.select %lt3A_89, %add3A_96, %broadcast_in_dim3A_115 : vector<256x1xi1>, vector<256x1xf32>
    %eq3A_117 = vector.broadcast %select_n3A_116 : vector<256x1xf32> to vector<256x2560xf32>
    %eq3A_118 = arith.cmpf oeq, %convert_element_type3A_106, %eq3A_117 : vector<256x2560xf32>
    %convert_element_type3A_119 = arith.extui %eq3A_118 : vector<256x2560xi1> to vector<256x2560xi32>
    %convert_element_type3A_120 = arith.sitofp %convert_element_type3A_119 : vector<256x2560xi32> to vector<256x2560xf32>
    %add3A_121 = arith.addf %convert_element_type3A_113, %convert_element_type3A_120 : vector<256x2560xf32>
    %convert_element_type3A_122 = arith.sitofp %arg0 : i32 to f32
    %mul3A_123 = arith.constant 2.560000e+02 : f32
    %mul3A_124 = arith.mulf %mul3A_123, %convert_element_type3A_122 : f32
    %iota3A_125 = tpu.iota {dimensions = array<i32: 0>} : vector<256x1xi32>
    %convert_element_type3A_126 = arith.sitofp %iota3A_125 : vector<256x1xi32> to vector<256x1xf32>
    %add3A_127 = vector.broadcast %mul3A_124 : f32 to vector<256x1xf32>
    %add3A_128 = arith.addf %add3A_127, %convert_element_type3A_126 : vector<256x1xf32>
    %broadcast_in_dim3A_129 = arith.constant 1.000000e+00 : f32
    %broadcast_in_dim3A_130 = vector.broadcast %broadcast_in_dim3A_129 : f32 to vector<256x1xf32>
    %concatenate3A_131 = tpu.concatenate %add3A_128, %broadcast_in_dim3A_130 in 1 : vector<256x1xf32>, vector<256x1xf32> -> vector<256x2xf32>
    %dot_general3A_132 = arith.constant dense<0.000000e+00> : vector<2x2560xf32>
    %dot_general3A_133 = tpu.matmul %concatenate3A_131, %add3A_121, %dot_general3A_132 {dimension_numbers = #tpu.dot_dimension_numbers<[0], [0], [1], [1], [0, 1, 1, 1], [], []>, precision = #tpu.contract_precision<fp32>, transpose_lhs_hint = false} : vector<256x2xf32>, vector<256x2560xf32>, vector<2x2560xf32> -> vector<2x2560xf32>
    %get3A_134 = arith.constant 0 : index
    %get3A_135 = arith.constant 0 : index
    %get3A_136 = vector.load %arg8[%get3A_134, %get3A_135] : memref<1x2560xf32, #tpu.memory_space<vmem>>, vector<1x2560xf32>
    %slice3A_137 = vector.extract_strided_slice %dot_general3A_133 {offsets = [0, 0], sizes = [1, 2560], strides = [1, 1]} : vector<2x2560xf32> to vector<1x2560xf32>
    %add3A_138 = arith.addf %get3A_136, %slice3A_137 : vector<1x2560xf32>
    %swap3A_139 = arith.constant 0 : index
    %swap3A_140 = arith.constant 0 : index
    %swap3A_141 = vector.load %arg8[%swap3A_139, %swap3A_140] : memref<1x2560xf32, #tpu.memory_space<vmem>>, vector<1x2560xf32>
    tpu.vector_store %arg8[%swap3A_139, %swap3A_140], %add3A_138 {strides = array<i32>} : memref<1x2560xf32, #tpu.memory_space<vmem>>, vector<1x2560xf32>,
    %get3A_142 = arith.constant 0 : index
    %get3A_143 = arith.constant 0 : index
    %get3A_144 = vector.load %arg10[%get3A_142, %get3A_143] : memref<1x2560xf32, #tpu.memory_space<vmem>>, vector<1x2560xf32>
    %slice3A_145 = vector.extract_strided_slice %dot_general3A_133 {offsets = [1, 0], sizes = [1, 2560], strides = [1, 1]} : vector<2x2560xf32> to vector<1x2560xf32>
    %add3A_146 = arith.addf %get3A_144, %slice3A_145 : vector<1x2560xf32>
    %swap3A_147 = arith.constant 0 : index
    %swap3A_148 = arith.constant 0 : index
    %swap3A_149 = vector.load %arg10[%swap3A_147, %swap3A_148] : memref<1x2560xf32, #tpu.memory_space<vmem>>, vector<1x2560xf32>
    tpu.vector_store %arg10[%swap3A_147, %swap3A_148], %add3A_146 {strides = array<i32>} : memref<1x2560xf32, #tpu.memory_space<vmem>>, vector<1x2560xf32>,
    %concatenate3A_150 = tpu.concatenate %add3A_128, %broadcast_in_dim3A_19 in 1 : vector<256x1xf32>, vector<256x1xf32> -> vector<256x2xf32>
    %dot_general3A_151 = arith.constant dense<0.000000e+00> : vector<2x2560xf32>
    %dot_general3A_152 = tpu.matmul %concatenate3A_150, %convert_element_type3A_113, %dot_general3A_151 {dimension_numbers = #tpu.dot_dimension_numbers<[0], [0], [1], [1], [0, 1, 1, 1], [], []>, precision = #tpu.contract_precision<fp32>, transpose_lhs_hint = false} : vector<256x2xf32>, vector<256x2560xf32>, vector<2x2560xf32> -> vector<2x2560xf32>
    %add3A_153 = arith.constant 2.056000e+03 : f32
    %add3A_154 = vector.broadcast %add3A_153 : f32 to vector<256x1xf32>
    %add3A_155 = arith.addf %add3A_128, %add3A_154 : vector<256x1xf32>
    %concatenate3A_156 = tpu.concatenate %add3A_155, %broadcast_in_dim3A_34 in 1 : vector<256x1xf32>, vector<256x1xf32> -> vector<256x2xf32>
    %dot_general3A_157 = arith.constant dense<0.000000e+00> : vector<2x2560xf32>
    %dot_general3A_158 = tpu.matmul %concatenate3A_156, %convert_element_type3A_120, %dot_general3A_157 {dimension_numbers = #tpu.dot_dimension_numbers<[0], [0], [1], [1], [0, 1, 1, 1], [], []>, precision = #tpu.contract_precision<fp32>, transpose_lhs_hint = false} : vector<256x2xf32>, vector<256x2560xf32>, vector<2x2560xf32> -> vector<2x2560xf32>
    %get3A_159 = arith.constant 0 : index
    %get3A_160 = arith.constant 0 : index
    %get3A_161 = vector.load %arg11[%get3A_159, %get3A_160] : memref<1x2560xf32, #tpu.memory_space<vmem>>, vector<1x2560xf32>
    %slice3A_162 = vector.extract_strided_slice %dot_general3A_152 {offsets = [0, 0], sizes = [1, 2560], strides = [1, 1]} : vector<2x2560xf32> to vector<1x2560xf32>
    %slice3A_163 = vector.extract_strided_slice %dot_general3A_158 {offsets = [0, 0], sizes = [1, 2560], strides = [1, 1]} : vector<2x2560xf32> to vector<1x2560xf32>
    %add3A_164 = arith.addf %slice3A_162, %slice3A_163 : vector<1x2560xf32>
    %add3A_165 = arith.addf %get3A_161, %add3A_164 : vector<1x2560xf32>
    %swap3A_166 = arith.constant 0 : index
    %swap3A_167 = arith.constant 0 : index
    %swap3A_168 = vector.load %arg11[%swap3A_166, %swap3A_167] : memref<1x2560xf32, #tpu.memory_space<vmem>>, vector<1x2560xf32>
    tpu.vector_store %arg11[%swap3A_166, %swap3A_167], %add3A_165 {strides = array<i32>} : memref<1x2560xf32, #tpu.memory_space<vmem>>, vector<1x2560xf32>,
    %get3A_169 = arith.constant 0 : index
    %get3A_170 = arith.constant 0 : index
    %get3A_171 = vector.load %arg9[%get3A_169, %get3A_170] : memref<1x2560xf32, #tpu.memory_space<vmem>>, vector<1x2560xf32>
    %slice3A_172 = vector.extract_strided_slice %dot_general3A_152 {offsets = [1, 0], sizes = [1, 2560], strides = [1, 1]} : vector<2x2560xf32> to vector<1x2560xf32>
    %slice3A_173 = vector.extract_strided_slice %dot_general3A_158 {offsets = [1, 0], sizes = [1, 2560], strides = [1, 1]} : vector<2x2560xf32> to vector<1x2560xf32>
    %add3A_174 = arith.addf %slice3A_172, %slice3A_173 : vector<1x2560xf32>
    %add3A_175 = arith.addf %get3A_171, %add3A_174 : vector<1x2560xf32>
    %swap3A_176 = arith.constant 0 : index
    %swap3A_177 = arith.constant 0 : index
    %swap3A_178 = vector.load %arg9[%swap3A_176, %swap3A_177] : memref<1x2560xf32, #tpu.memory_space<vmem>>, vector<1x2560xf32>
    tpu.vector_store %arg9[%swap3A_176, %swap3A_177], %add3A_175 {strides = array<i32>} : memref<1x2560xf32, #tpu.memory_space<vmem>>, vector<1x2560xf32>,
    %eq3A_179 = arith.constant 7 : i32
    %eq3A_180 = arith.cmpi eq, %arg0, %eq3A_179 : i32
    %convert_element_type3A_181 = arith.extui %eq3A_180 : i1 to i32
    %cond3A_182 = arith.constant 0 : i32
    %cond3A_183 = arith.cmpi ne, %convert_element_type3A_181, %cond3A_182 : i32
    scf.if %cond3A_183 {
      %get3A_184 = arith.constant 0 : index
      %get3A_185 = arith.constant 0 : index
      %get3A_186 = vector.load %arg10[%get3A_184, %get3A_185] : memref<1x2560xf32, #tpu.memory_space<vmem>>, vector<1x2560xf32>
      %gt3A = arith.constant 5.000000e-01 : f32
      %gt3A_187 = vector.broadcast %gt3A : f32 to vector<1x2560xf32>
      %gt3A_188 = arith.cmpf ogt, %get3A_186, %gt3A_187 : vector<1x2560xf32>
      %get3A_189 = arith.constant 0 : index
      %get3A_190 = arith.constant 0 : index
      %get3A_191 = vector.load %arg8[%get3A_189, %get3A_190] : memref<1x2560xf32, #tpu.memory_space<vmem>>, vector<1x2560xf32>
      %round3A = math.roundeven %get3A_191 : vector<1x2560xf32>
      %jit3A_192 = arith.constant 0.000000e+00 : f32
      %broadcast_in_dim3A_193 = vector.broadcast %jit3A_192 : f32 to vector<1x2560xf32>
      %select_n3A_194 = arith.select %gt3A_188, %round3A, %broadcast_in_dim3A_193 : vector<1x2560xi1>, vector<1x2560xf32>
      %convert_element_type3A_195 = arith.fptosi %select_n3A_194 : vector<1x2560xf32> to vector<1x2560xi32>
      %swap3A_196 = arith.constant 0 : index
      %swap3A_197 = arith.constant 0 : index
      %swap3A_198 = vector.load %arg5[%swap3A_196, %swap3A_197] : memref<1x2560xi32, #tpu.memory_space<vmem>>, vector<1x2560xi32>
      tpu.vector_store %arg5[%swap3A_196, %swap3A_197], %convert_element_type3A_195 {strides = array<i32>} : memref<1x2560xi32, #tpu.memory_space<vmem>>, vector<1x2560xi32>,
      %get3A_199 = arith.constant 0 : index
      %get3A_200 = arith.constant 0 : index
      %get3A_201 = vector.load %arg10[%get3A_199, %get3A_200] : memref<1x2560xf32, #tpu.memory_space<vmem>>, vector<1x2560xf32>
      %gt3A_202 = arith.constant 5.000000e-01 : f32
      %gt3A_203 = vector.broadcast %gt3A_202 : f32 to vector<1x2560xf32>
      %gt3A_204 = arith.cmpf ogt, %get3A_201, %gt3A_203 : vector<1x2560xf32>
      %get3A_205 = arith.constant 0 : index
      %get3A_206 = arith.constant 0 : index
      %get3A_207 = vector.load %arg11[%get3A_205, %get3A_206] : memref<1x2560xf32, #tpu.memory_space<vmem>>, vector<1x2560xf32>
      %round3A_208 = math.roundeven %get3A_207 : vector<1x2560xf32>
      %jit3A_209 = arith.constant 2.048000e+03 : f32
      %broadcast_in_dim3A_210 = vector.broadcast %jit3A_209 : f32 to vector<1x2560xf32>
      %select_n3A_211 = arith.select %gt3A_204, %round3A_208, %broadcast_in_dim3A_210 : vector<1x2560xi1>, vector<1x2560xf32>
      %convert_element_type3A_212 = arith.fptosi %select_n3A_211 : vector<1x2560xf32> to vector<1x2560xi32>
      %swap3A_213 = arith.constant 0 : index
      %swap3A_214 = arith.constant 0 : index
      %swap3A_215 = vector.load %arg4[%swap3A_213, %swap3A_214] : memref<1x2560xi32, #tpu.memory_space<vmem>>, vector<1x2560xi32>
      tpu.vector_store %arg4[%swap3A_213, %swap3A_214], %convert_element_type3A_212 {strides = array<i32>} : memref<1x2560xi32, #tpu.memory_space<vmem>>, vector<1x2560xi32>,
      %get3A_216 = arith.constant 0 : index
      %get3A_217 = arith.constant 0 : index
      %get3A_218 = vector.load %arg9[%get3A_216, %get3A_217] : memref<1x2560xf32, #tpu.memory_space<vmem>>, vector<1x2560xf32>
      %swap3A_219 = arith.constant 0 : index
      %swap3A_220 = arith.constant 0 : index
      %swap3A_221 = vector.load %arg6[%swap3A_219, %swap3A_220] : memref<1x2560xf32, #tpu.memory_space<vmem>>, vector<1x2560xf32>
      tpu.vector_store %arg6[%swap3A_219, %swap3A_220], %get3A_218 {strides = array<i32>} : memref<1x2560xf32, #tpu.memory_space<vmem>>, vector<1x2560xf32>,
    } else {
    }
    return
  }
  func.func @transform_0(%arg0: i32) -> (i32, i32) {
    %c0_i32 = arith.constant 0 : i32
    %c0_i32_0 = arith.constant 0 : i32
    return %arg0, %c0_i32 : i32, i32
  }
  func.func @transform_1(%arg0: i32) -> (i32, i32) {
    %c0_i32 = arith.constant 0 : i32
    %c0_i32_0 = arith.constant 0 : i32
    %c0_i32_1 = arith.constant 0 : i32
    return %c0_i32, %c0_i32_0 : i32, i32
  }
  func.func @transform_2(%arg0: i32) -> (i32, i32, i32) {
    %c0_i32 = arith.constant 0 : i32
    %c0_i32_0 = arith.constant 0 : i32
    %c0_i32_1 = arith.constant 0 : i32
    return %arg0, %c0_i32, %c0_i32_0 : i32, i32, i32
  }
  func.func @transform_3(%arg0: i32) -> (i32, i32) {
    %c0_i32 = arith.constant 0 : i32
    %c0_i32_0 = arith.constant 0 : i32
    %c0_i32_1 = arith.constant 0 : i32
    return %c0_i32, %c0_i32_0 : i32, i32
  }
  func.func @transform_4(%arg0: i32) -> (i32, i32) {
    %c0_i32 = arith.constant 0 : i32
    %c0_i32_0 = arith.constant 0 : i32
    %c0_i32_1 = arith.constant 0 : i32
    return %c0_i32, %c0_i32_0 : i32, i32
  }
  func.func @transform_5(%arg0: i32) -> (i32, i32) {
    %c0_i32 = arith.constant 0 : i32
    %c0_i32_0 = arith.constant 0 : i32
    %c0_i32_1 = arith.constant 0 : i32
    return %c0_i32, %c0_i32_0 : i32, i32
  }
}

module attributes {stable_mosaic.version = 14 : i64} {
  func.func @body(%arg0: i32, %arg1: i32, %arg2: memref<1x320x1024xf32, #tpu.memory_space<vmem>>, %arg3: memref<1x512x1024xf32, #tpu.memory_space<vmem>>, %arg4: memref<1x1x512xf32, #tpu.memory_space<vmem>>, %arg5: memref<1x1024x512xf32, #tpu.memory_space<vmem>>, %arg6: memref<1x1x1024xf32, #tpu.memory_space<vmem>>, %arg7: memref<1x320x1xf32, #tpu.memory_space<vmem>>, %arg8: memref<1x320x1024xf32, #tpu.memory_space<vmem>>, %arg9: memref<320x1024xf32, #tpu.memory_space<vmem>>) attributes {dimension_semantics = [#tpu.dimension_semantics<arbitrary>, #tpu.dimension_semantics<arbitrary>], iteration_bounds = array<i64: 8, 8>, scalar_prefetch = 0 : i64, scratch_operands = 1 : i64, tpu.core_type = #tpu.core_type<tc>, window_params = [{transform_indices = @transform_0, window_bounds = array<i64: 1, 320, 1024>}, {transform_indices = @transform_1, window_bounds = array<i64: 1, 512, 1024>}, {transform_indices = @transform_2, window_bounds = array<i64: 1, 1, 512>}, {transform_indices = @transform_3, window_bounds = array<i64: 1, 1024, 512>}, {transform_indices = @transform_4, window_bounds = array<i64: 1, 1, 1024>}, {transform_indices = @transform_5, window_bounds = array<i64: 1, 320, 1>}, {transform_indices = @transform_6, window_bounds = array<i64: 1, 320, 1024>}]} {
    %get3A = arith.constant 0 : index
    %get3A_0 = arith.constant 0 : index
    %get3A_1 = arith.constant 0 : index
    %get3A_2 = vector.load %arg2[%get3A, %get3A_0, %get3A_1] : memref<1x320x1024xf32, #tpu.memory_space<vmem>>, vector<1x320x1024xf32>
    %get3A_3 = vector.shape_cast %get3A_2 : vector<1x320x1024xf32> to vector<320x1024xf32>
    %convert_element_type3A = arith.truncf %get3A_3 : vector<320x1024xf32> to vector<320x1024xbf16>
    %get3A_4 = arith.constant 0 : index
    %get3A_5 = arith.constant 0 : index
    %get3A_6 = arith.constant 0 : index
    %get3A_7 = vector.load %arg3[%get3A_4, %get3A_5, %get3A_6] : memref<1x512x1024xf32, #tpu.memory_space<vmem>>, vector<1x512x1024xf32>
    %get3A_8 = vector.shape_cast %get3A_7 : vector<1x512x1024xf32> to vector<512x1024xf32>
    %convert_element_type3A_9 = arith.truncf %get3A_8 : vector<512x1024xf32> to vector<512x1024xbf16>
    %dot_general3A = arith.constant dense<0.000000e+00> : vector<320x512xf32>
    %dot_general3A_10 = tpu.matmul %convert_element_type3A, %convert_element_type3A_9, %dot_general3A {dimension_numbers = #tpu.dot_dimension_numbers<[1], [1], [0], [0], [0, 0, 1, 0], [], []>, transpose_lhs_hint = false} : vector<320x1024xbf16>, vector<512x1024xbf16>, vector<320x512xf32> -> vector<320x512xf32>
    %get3A_11 = arith.constant 0 : index
    %get3A_12 = arith.constant 0 : index
    %get3A_13 = arith.constant 0 : index
    %get3A_14 = vector.load %arg4[%get3A_11, %get3A_12, %get3A_13] : memref<1x1x512xf32, #tpu.memory_space<vmem>>, vector<1x1x512xf32>
    %get3A_15 = vector.shape_cast %get3A_14 : vector<1x1x512xf32> to vector<1x512xf32>
    %add3A = vector.broadcast %get3A_15 : vector<1x512xf32> to vector<320x512xf32>
    %add3A_16 = arith.addf %dot_general3A_10, %add3A : vector<320x512xf32>
    %mul3A = arith.constant 5.000000e-01 : f32
    %mul3A_17 = vector.broadcast %mul3A : f32 to vector<320x512xf32>
    %mul3A_18 = arith.mulf %mul3A_17, %add3A_16 : vector<320x512xf32>
    %mul3A_19 = arith.constant 0.707106769 : f32
    %mul3A_20 = vector.broadcast %mul3A_19 : f32 to vector<320x512xf32>
    %mul3A_21 = arith.mulf %add3A_16, %mul3A_20 : vector<320x512xf32>
    %erf3A = math.erf %mul3A_21 : vector<320x512xf32>
    %add3A_22 = arith.constant 1.000000e+00 : f32
    %add3A_23 = vector.broadcast %add3A_22 : f32 to vector<320x512xf32>
    %add3A_24 = arith.addf %add3A_23, %erf3A : vector<320x512xf32>
    %mul3A_25 = arith.mulf %mul3A_18, %add3A_24 : vector<320x512xf32>
    %convert_element_type3A_26 = arith.truncf %mul3A_25 : vector<320x512xf32> to vector<320x512xbf16>
    %get3A_27 = arith.constant 0 : index
    %get3A_28 = arith.constant 0 : index
    %get3A_29 = arith.constant 0 : index
    %get3A_30 = vector.load %arg5[%get3A_27, %get3A_28, %get3A_29] : memref<1x1024x512xf32, #tpu.memory_space<vmem>>, vector<1x1024x512xf32>
    %get3A_31 = vector.shape_cast %get3A_30 : vector<1x1024x512xf32> to vector<1024x512xf32>
    %convert_element_type3A_32 = arith.truncf %get3A_31 : vector<1024x512xf32> to vector<1024x512xbf16>
    %dot_general3A_33 = arith.constant dense<0.000000e+00> : vector<320x1024xf32>
    %dot_general3A_34 = tpu.matmul %convert_element_type3A_26, %convert_element_type3A_32, %dot_general3A_33 {dimension_numbers = #tpu.dot_dimension_numbers<[1], [1], [0], [0], [0, 0, 1, 0], [], []>, transpose_lhs_hint = false} : vector<320x512xbf16>, vector<1024x512xbf16>, vector<320x1024xf32> -> vector<320x1024xf32>
    %eq3A = arith.constant 0 : i32
    %eq3A_35 = arith.cmpi eq, %arg1, %eq3A : i32
    %convert_element_type3A_36 = arith.extui %eq3A_35 : i1 to i32
    %cond3A = arith.constant 0 : i32
    %cond3A_37 = arith.cmpi ne, %convert_element_type3A_36, %cond3A : i32
    scf.if %cond3A_37 {
      %broadcast_in_dim3A = arith.constant 0.000000e+00 : f32
      %broadcast_in_dim3A_49 = vector.broadcast %broadcast_in_dim3A : f32 to vector<320x1024xf32>
      %swap3A_50 = arith.constant 0 : index
      %swap3A_51 = arith.constant 0 : index
      %swap3A_52 = vector.load %arg9[%swap3A_50, %swap3A_51] : memref<320x1024xf32, #tpu.memory_space<vmem>>, vector<320x1024xf32>
      tpu.vector_store %arg9[%swap3A_50, %swap3A_51], %broadcast_in_dim3A_49 {strides = array<i32>} : memref<320x1024xf32, #tpu.memory_space<vmem>>, vector<320x1024xf32>,
    } else {
    }
    %get3A_38 = arith.constant 0 : index
    %get3A_39 = arith.constant 0 : index
    %get3A_40 = vector.load %arg9[%get3A_38, %get3A_39] : memref<320x1024xf32, #tpu.memory_space<vmem>>, vector<320x1024xf32>
    %add3A_41 = arith.addf %get3A_40, %dot_general3A_34 : vector<320x1024xf32>
    %swap3A = arith.constant 0 : index
    %swap3A_42 = arith.constant 0 : index
    %swap3A_43 = vector.load %arg9[%swap3A, %swap3A_42] : memref<320x1024xf32, #tpu.memory_space<vmem>>, vector<320x1024xf32>
    tpu.vector_store %arg9[%swap3A, %swap3A_42], %add3A_41 {strides = array<i32>} : memref<320x1024xf32, #tpu.memory_space<vmem>>, vector<320x1024xf32>,
    %eq3A_44 = arith.constant 7 : i32
    %eq3A_45 = arith.cmpi eq, %arg1, %eq3A_44 : i32
    %convert_element_type3A_46 = arith.extui %eq3A_45 : i1 to i32
    %cond3A_47 = arith.constant 0 : i32
    %cond3A_48 = arith.cmpi ne, %convert_element_type3A_46, %cond3A_47 : i32
    scf.if %cond3A_48 {
      %get3A_49 = arith.constant 0 : index
      %get3A_50 = arith.constant 0 : index
      %get3A_51 = vector.load %arg9[%get3A_49, %get3A_50] : memref<320x1024xf32, #tpu.memory_space<vmem>>, vector<320x1024xf32>
      %get3A_52 = arith.constant 0 : index
      %get3A_53 = arith.constant 0 : index
      %get3A_54 = arith.constant 0 : index
      %get3A_55 = vector.load %arg6[%get3A_52, %get3A_53, %get3A_54] : memref<1x1x1024xf32, #tpu.memory_space<vmem>>, vector<1x1x1024xf32>
      %get3A_56 = vector.shape_cast %get3A_55 : vector<1x1x1024xf32> to vector<1x1024xf32>
      %add3A_57 = vector.broadcast %get3A_56 : vector<1x1024xf32> to vector<320x1024xf32>
      %add3A_58 = arith.addf %get3A_51, %add3A_57 : vector<320x1024xf32>
      %get3A_59 = arith.constant 0 : index
      %get3A_60 = arith.constant 0 : index
      %get3A_61 = arith.constant 0 : index
      %get3A_62 = vector.load %arg7[%get3A_59, %get3A_60, %get3A_61] : memref<1x320x1xf32, #tpu.memory_space<vmem>>, vector<1x320x1xf32>
      %get3A_63 = vector.shape_cast %get3A_62 : vector<1x320x1xf32> to vector<320x1xf32>
      %mul3A_64 = vector.broadcast %get3A_63 : vector<320x1xf32> to vector<320x1024xf32>
      %mul3A_65 = arith.mulf %add3A_58, %mul3A_64 : vector<320x1024xf32>
      %reshape3A = vector.shape_cast %mul3A_65 : vector<320x1024xf32> to vector<1x320x1024xf32>
      %swap3A_66 = arith.constant 0 : index
      %swap3A_67 = arith.constant 0 : index
      %swap3A_68 = arith.constant 0 : index
      %swap3A_69 = vector.load %arg8[%swap3A_66, %swap3A_67, %swap3A_68] : memref<1x320x1024xf32, #tpu.memory_space<vmem>>, vector<1x320x1024xf32>
      tpu.vector_store %arg8[%swap3A_66, %swap3A_67, %swap3A_68], %reshape3A {strides = array<i32>} : memref<1x320x1024xf32, #tpu.memory_space<vmem>>, vector<1x320x1024xf32>,
    } else {
    }
    return
  }
  func.func @transform_0(%arg0: i32, %arg1: i32) -> (i32, i32, i32) {
    %c0_i32 = arith.constant 0 : i32
    %c0_i32_0 = arith.constant 0 : i32
    %c0_i32_1 = arith.constant 0 : i32
    return %arg0, %c0_i32, %c0_i32_0 : i32, i32, i32
  }
  func.func @transform_1(%arg0: i32, %arg1: i32) -> (i32, i32, i32) {
    %c0_i32 = arith.constant 0 : i32
    %c0_i32_0 = arith.constant 0 : i32
    return %arg0, %arg1, %c0_i32 : i32, i32, i32
  }
  func.func @transform_2(%arg0: i32, %arg1: i32) -> (i32, i32, i32) {
    %c0_i32 = arith.constant 0 : i32
    %c0_i32_0 = arith.constant 0 : i32
    return %arg0, %c0_i32, %arg1 : i32, i32, i32
  }
  func.func @transform_3(%arg0: i32, %arg1: i32) -> (i32, i32, i32) {
    %c0_i32 = arith.constant 0 : i32
    %c0_i32_0 = arith.constant 0 : i32
    return %arg0, %c0_i32, %arg1 : i32, i32, i32
  }
  func.func @transform_4(%arg0: i32, %arg1: i32) -> (i32, i32, i32) {
    %c0_i32 = arith.constant 0 : i32
    %c0_i32_0 = arith.constant 0 : i32
    %c0_i32_1 = arith.constant 0 : i32
    return %arg0, %c0_i32, %c0_i32_0 : i32, i32, i32
  }
  func.func @transform_5(%arg0: i32, %arg1: i32) -> (i32, i32, i32) {
    %c0_i32 = arith.constant 0 : i32
    %c0_i32_0 = arith.constant 0 : i32
    %c0_i32_1 = arith.constant 0 : i32
    return %arg0, %c0_i32, %c0_i32_0 : i32, i32, i32
  }
  func.func @transform_6(%arg0: i32, %arg1: i32) -> (i32, i32, i32) {
    %c0_i32 = arith.constant 0 : i32
    %c0_i32_0 = arith.constant 0 : i32
    %c0_i32_1 = arith.constant 0 : i32
    return %arg0, %c0_i32, %c0_i32_0 : i32, i32, i32
  }
}

module attributes {stable_mosaic.version = 14 : i64} {
  func.func @body(%arg0: i32, %arg1: memref<1x256x1024xf32, #tpu.memory_space<vmem>>, %arg2: memref<1x256x1024xf32, #tpu.memory_space<vmem>>, %arg3: memref<256x2xf32, #tpu.memory_space<vmem>>, %arg4: memref<256x1024xf32, #tpu.memory_space<vmem>>) attributes {dimension_semantics = [#tpu.dimension_semantics<arbitrary>], iteration_bounds = array<i64: 8>, scalar_prefetch = 0 : i64, scratch_operands = 0 : i64, tpu.core_type = #tpu.core_type<tc>, window_params = [{transform_indices = @transform_0, window_bounds = array<i64: 1, 256, 1024>}, {transform_indices = @transform_1, window_bounds = array<i64: 1, 256, 1024>}, {transform_indices = @transform_2, window_bounds = array<i64: 256, 2>}, {transform_indices = @transform_3, window_bounds = array<i64: 256, 1024>}]} {
    %get3A = arith.constant 0 : index
    %get3A_0 = arith.constant 0 : index
    %get3A_1 = vector.load %arg3[%get3A, %get3A_0] : memref<256x2xf32, #tpu.memory_space<vmem>>, vector<256x1xf32>
    %gt3A = arith.constant 5.000000e-01 : f32
    %gt3A_2 = vector.broadcast %gt3A : f32 to vector<256x1xf32>
    %gt3A_3 = arith.cmpf ogt, %get3A_1, %gt3A_2 : vector<256x1xf32>
    %get3A_4 = arith.constant 0 : index
    %get3A_5 = arith.constant 0 : index
    %get3A_6 = arith.constant 0 : index
    %get3A_7 = vector.load %arg1[%get3A_4, %get3A_5, %get3A_6] : memref<1x256x1024xf32, #tpu.memory_space<vmem>>, vector<1x256x1024xf32>
    %get3A_8 = vector.shape_cast %get3A_7 : vector<1x256x1024xf32> to vector<256x1024xf32>
    %jit3A = arith.constant 0.000000e+00 : f32
    %broadcast_in_dim3A = vector.shape_cast %gt3A_3 : vector<256x1xi1> to vector<256x1xi1>
    %broadcast_in_dim3A_9 = vector.broadcast %broadcast_in_dim3A : vector<256x1xi1> to vector<256x1024xi1>
    %broadcast_in_dim3A_10 = vector.broadcast %jit3A : f32 to vector<256x1024xf32>
    %select_n3A = arith.select %broadcast_in_dim3A_9, %get3A_8, %broadcast_in_dim3A_10 : vector<256x1024xi1>, vector<256x1024xf32>
    %get3A_11 = arith.constant 0 : index
    %get3A_12 = arith.constant 1 : index
    %get3A_13 = vector.load %arg3[%get3A_11, %get3A_12] : memref<256x2xf32, #tpu.memory_space<vmem>>, vector<256x1xf32>
    %gt3A_14 = arith.constant 5.000000e-01 : f32
    %gt3A_15 = vector.broadcast %gt3A_14 : f32 to vector<256x1xf32>
    %gt3A_16 = arith.cmpf ogt, %get3A_13, %gt3A_15 : vector<256x1xf32>
    %get3A_17 = arith.constant 0 : index
    %get3A_18 = arith.constant 0 : index
    %get3A_19 = arith.constant 0 : index
    %get3A_20 = vector.load %arg2[%get3A_17, %get3A_18, %get3A_19] : memref<1x256x1024xf32, #tpu.memory_space<vmem>>, vector<1x256x1024xf32>
    %get3A_21 = vector.shape_cast %get3A_20 : vector<1x256x1024xf32> to vector<256x1024xf32>
    %jit3A_22 = arith.constant 0.000000e+00 : f32
    %broadcast_in_dim3A_23 = vector.shape_cast %gt3A_16 : vector<256x1xi1> to vector<256x1xi1>
    %broadcast_in_dim3A_24 = vector.broadcast %broadcast_in_dim3A_23 : vector<256x1xi1> to vector<256x1024xi1>
    %broadcast_in_dim3A_25 = vector.broadcast %jit3A_22 : f32 to vector<256x1024xf32>
    %select_n3A_26 = arith.select %broadcast_in_dim3A_24, %get3A_21, %broadcast_in_dim3A_25 : vector<256x1024xi1>, vector<256x1024xf32>
    %add3A = arith.addf %select_n3A, %select_n3A_26 : vector<256x1024xf32>
    %swap3A = arith.constant 0 : index
    %swap3A_27 = arith.constant 0 : index
    %swap3A_28 = vector.load %arg4[%swap3A, %swap3A_27] : memref<256x1024xf32, #tpu.memory_space<vmem>>, vector<256x1024xf32>
    tpu.vector_store %arg4[%swap3A, %swap3A_27], %add3A {strides = array<i32>} : memref<256x1024xf32, #tpu.memory_space<vmem>>, vector<256x1024xf32>,
    return
  }
  func.func @transform_0(%arg0: i32) -> (i32, i32, i32) {
    %c0_i32 = arith.constant 0 : i32
    %c0_i32_0 = arith.constant 0 : i32
    %c0_i32_1 = arith.constant 0 : i32
    return %c0_i32, %arg0, %c0_i32_0 : i32, i32, i32
  }
  func.func @transform_1(%arg0: i32) -> (i32, i32, i32) {
    %c1_i32 = arith.constant 1 : i32
    %c0_i32 = arith.constant 0 : i32
    %c0_i32_0 = arith.constant 0 : i32
    return %c1_i32, %arg0, %c0_i32 : i32, i32, i32
  }
  func.func @transform_2(%arg0: i32) -> (i32, i32) {
    %c0_i32 = arith.constant 0 : i32
    %c0_i32_0 = arith.constant 0 : i32
    return %arg0, %c0_i32 : i32, i32
  }
  func.func @transform_3(%arg0: i32) -> (i32, i32) {
    %c0_i32 = arith.constant 0 : i32
    %c0_i32_0 = arith.constant 0 : i32
    return %arg0, %c0_i32 : i32, i32
  }
}

</mosaic_0001>

<sc_bundles>
// kernel: kernel.10.cloned.1.call-start
scs
__scs_entry_jumppad:
0x0: {  	(pc) =	sbr.rel $0x88, $3  }
0x1: {  	(tag) =	ssettag $0x0;
	lr =	simm.s32 $0x1  }
0x2: {  	[smem:$0x3F9B] =	sst lr;
	_ =	strace $0xD0000000  }
0x3: {  	_ = 	snop  }
0x4: {  	_ = 	snop  }
0x5: {  	_ = 	snop  }
0x6: {  	_ = 	snop  }
0x7: {  	_ = 	snop  }
__scs_overlays_trampoline_lowered:
0x8: {  	[smem:$0x3FAA] =	sst s0  }
0x9: {  	[smem:$0x3FAB] =	sst s1  }
0xa: {  	[smem:$0x3FAC] =	sst s2  }
0xb: {  	[smem:$0x3FAD] =	sst s3  }
0xc: {  	[smem:$0x3FAE] =	sst s4  }
0xd: {  	[smem:$0x3FAF] =	sst s5  }
0xe: {  	[smem:$0x3FB0] =	sst s6  }
0xf: {  	[smem:$0x3FB1] =	sst s7  }
0x10: {  	[smem:$0x3FB2] =	sst s8  }
0x11: {  	[smem:$0x3FB3] =	sst s9;
	s0 =	simm.s32 @!p0 $0x0  }
0x12: {  	s1 =	sld [smem:$0x3F99];
	s0 =	simm.s32 @p0 $0x1  }
0x13: {  	[smem:$0x3FB4] =	sst s0;
	s0 =	simm.s32 @!p1 $0x0  }
0x14: {  	s2 =	sld [smem:$0x3F98];
	s0 =	simm.s32 @p1 $0x1  }
0x15: {  	[smem:$0x3FB5] =	sst s0;
	s0 =	simm.s32 @!p2 $0x0  }
0x16: {  	s3 =	sld [smem:$0x3FDB];
	s0 =	simm.s32 @p2 $0x1  }
0x17: {  	s4 =	simm.s32 $0x1BF5;
	[smem:$0x3FB7] =	sst s0  }
0x18: {  	s0 =	sld [smem:$0x3F9A];
	_ =	swait.ge [sflag:s4], $0x0  }
0x19: {  	s7 =	sld [smem:$0x3F9B]  }
0x1a: {  	s8 =	sadd.s32 $0xFFFFE003, lr  }
0x1b: {  	s9 =	sadd.s32 $0xFFFFFEF7, lr;
	s5 =	simm.s32 $0xFFFFFFFF;
	p2 =	slt.u32 s8, $0xFFFFF086  }
0x1c: {  	p1 =	slt.u32 s9, $0xF7A;
	s5 =	simm.s32 @!p2 $0x0  }
0x1d: {  	s5 =	simm.s32 @p1 $0x1;
	p0 =	seq.s32 s7, s2  }
0x1e: {  	s7 =	smul.u32 @!p0 $0xF7A, s2;
	p2 =	seq.s32 @!p0 s5, $0x0  }
0x1f: {  	s9 =	smul.u32 $0xF7A, s1;
	s8 =	simm.s32 @!p0 $0x1BF5;
	p2 =	por !p2, p0  }
0x20: {  	[sflag:s8] =	ssyncset.s32 @!p0 $0xFFFFF086;
	s6 =	sadd.s32 @!p0 s3, s7;
	s7 =	simm.s32 @!p0 $0x108  }
0x21: {  	s3 =	sadd.s32 s3, s9;
	s6 =	sadd.s32 @!p0 $0x88, s6;
	s7 =	simm.s32 @p2 $0x1082  }
0x22: {  	[simem:s7], [sflag:s8] =	dma.local @!p0 [hbm:s6], $0xF7A  }
0x23: {  	s9 =	sor.u32 $0xD0000000, s2;
	s6 =	simm.s32 $0x108;
	_ =	swait.ge @!p0 [sflag:s8], $0x0  }
0x24: {  	s3 =	sadd.s32 $0x88, s3;
	s6 =	simm.s32 @!p1 $0x1082;
	[sflag:s4] =	ssyncset.s32 $0xFFFFF086  }
0x25: {  	[simem:s6], [sflag:s4] =	dma.local [hbm:s3], $0xF7A  }
0x26: {  	[smem:$0x3F9B] =	sst s1;
	(tag) =	ssettag s2;
	_ =	strace s9  }
0x27: {  	s1 =	sld [smem:$0x3FAB]  }
0x28: {  	s2 =	sld [smem:$0x3FAC]  }
0x29: {  	s4 =	sld [smem:$0x3FAE]  }
0x2a: {  	p0 =	seq.s32 s5, $0x0;
	s5 =	sld [smem:$0x3FAF]  }
0x2b: {  	s6 =	sld [smem:$0x3FB0]  }
0x2c: {  	s7 =	sld [smem:$0x3FB1]  }
0x2d: {  	s3 =	simm.s32 $0x108;
	s8 =	sld [smem:$0x3FB2]  }
0x2e: {  	s3 =	simm.s32 @!p0 $0x1082;
	s9 =	sld [smem:$0x3FB3]  }
0x2f: {  	lr =	sadd.s32 s0, s3;
	s0 =	sld [smem:$0x3FAA]  }
0x30: {  	s3 =	sld [smem:$0x3FAD]  }
0x31: {  	[smem:$0x3FB6] =	sst s10  }
0x32: {  	s10 =	sld [smem:$0x3FB4];
	_ =	sdelay $0x3  }
0x33: {  	p0 =	seq.s32 s10, $0x1;
	s10 =	sld [smem:$0x3FB6];
	_ =	sdelay $0x3  }
0x34: {  	[smem:$0x3FB6] =	sst s10  }
0x35: {  	s10 =	sld [smem:$0x3FB5];
	_ =	sdelay $0x3  }
0x36: {  	p1 =	seq.s32 s10, $0x1;
	s10 =	sld [smem:$0x3FB6];
	_ =	sdelay $0x3  }
0x37: {  	[smem:$0x3FB6] =	sst s10  }
0x38: {  	s10 =	sld [smem:$0x3FB7]  }
0x39: {  	_ = 	snop;
	(pc) =	sbr.ind lr, $3  }
0x3a: {  	_ = 	snop  }
0x3b: {  	_ = 	snop  }
0x3c: {  	p2 =	seq.s32 s10, $0x1;
	s10 =	sld [smem:$0x3FB6]  }
0x3d: {  	_ =	shalt  }
0x3e: {  	_ =	shalt  }
0x3f: {  	_ =	shalt  }
0x40: {  	_ =	shalt  }
0x41: {  	_ =	shalt  }
0x42: {  	_ =	shalt  }
0x43: {  	_ =	shalt  }
0x44: {  	_ =	shalt  }
0x45: {  	_ =	shalt  }
0x46: {  	_ =	shalt  }
0x47: {  	_ =	shalt  }
0x48: {  	_ =	shalt  }
0x49: {  	_ =	shalt  }
0x4a: {  	_ =	shalt  }
0x4b: {  	_ =	shalt  }
0x4c: {  	_ =	shalt  }
0x4d: {  	_ =	shalt  }
0x4e: {  	_ =	shalt  }
0x4f: {  	_ =	shalt  }
0x50: {  	_ =	shalt  }
0x51: {  	_ =	shalt  }
0x52: {  	_ =	shalt  }
0x53: {  	_ =	shalt  }
0x54: {  	_ =	shalt  }
0x55: {  	_ =	shalt  }
0x56: {  	_ =	shalt  }
0x57: {  	_ =	shalt  }
0x58: {  	_ =	shalt  }
0x59: {  	_ =	shalt  }
0x5a: {  	_ =	shalt  }
0x5b: {  	_ =	shalt  }
0x5c: {  	_ =	shalt  }
0x5d: {  	_ =	shalt  }
0x5e: {  	_ =	shalt  }
0x5f: {  	_ =	shalt  }
0x60: {  	_ =	shalt  }
0x61: {  	_ =	shalt  }
0x62: {  	_ =	shalt  }
0x63: {  	_ =	shalt  }
0x64: {  	_ =	shalt  }
0x65: {  	_ =	shalt  }
0x66: {  	_ =	shalt  }
0x67: {  	_ =	shalt  }
0x68: {  	_ =	shalt  }
0x69: {  	_ =	shalt  }
0x6a: {  	_ =	shalt  }
0x6b: {  	_ =	shalt  }
0x6c: {  	_ =	shalt  }
0x6d: {  	_ =	shalt  }
0x6e: {  	_ =	shalt  }
0x6f: {  	_ =	shalt  }
0x70: {  	_ =	shalt  }
0x71: {  	_ =	shalt  }
0x72: {  	_ =	shalt  }
0x73: {  	_ =	shalt  }
0x74: {  	_ =	shalt  }
0x75: {  	_ =	shalt  }
0x76: {  	_ =	shalt  }
0x77: {  	_ =	shalt  }
0x78: {  	_ =	shalt  }
0x79: {  	_ =	shalt  }
0x7a: {  	_ =	shalt  }
0x7b: {  	_ =	shalt  }
0x7c: {  	_ =	shalt  }
0x7d: {  	_ =	shalt  }
0x7e: {  	_ =	shalt  }
0x7f: {  	_ =	shalt  }
0x80: {  	_ =	shalt  }
0x81: {  	_ =	shalt  }
0x82: {  	_ =	shalt  }
0x83: {  	_ =	shalt  }
0x84: {  	_ =	shalt  }
0x85: {  	_ =	shalt  }
0x86: {  	_ =	shalt  }
0x87: {  	_ =	shalt  }
.Lfunc_end0:
.L_simem_size_0:
called_computation.1_lowered:
.L_overlay_start_0:
0x88: {  	s2 =	sld [smem:$0x3FD9]  }
0x89: {  	s3 =	sld [smem:$0x3FFE];
	_ =	sdelay $0x1  }
0x8a: {  	s1 =	srdreg.scid  }
0x8b: {  	s0 =	sand.u32 $0x1, s1  }
0x8c: {  	s16 =	sshll.u32 s0, $0xA;
	s2 =	sadd.s32 s3, s2  }
0x8d: {  	s2 =	sadd.s32 s2, s16  }
0x8e: {  	[smem:$0x3FC2] =	sst s2  }
0x8f: {  	_ = 	snop  }
0x90: {  	(tm) =	ssettm $0x1  }
0x91: {  	s17 =	sld [smem:$0x3FFB];
	_ =	sdelay $0x3  }
0x92: {  	_ =	strace s17  }
0x93: {  	s2 =	sld [smem:$0x3FFC];
	_ =	sdelay $0x3  }
0x94: {  	_ =	strace s2  }
0x95: {  	s2 =	sld [smem:$0x3FFD];
	_ =	sdelay $0x3  }
0x96: {  	_ =	strace s2  }
0x97: {  	_ =	strace $0x8FFFFFFF  }
0x98: {  	s18 =	sld [smem:$0x3FDB];
	_ =	sdelay $0x1  }
0x99: {  	s19 =	simm.s32 $_scs_section_size  }
0x9a: {  	s4 =	simm.s32 $_size__tile_overlayer_lowered;
	s5 =	simm.s32 $_tile_overlayer_lowered  }
0x9b: {  	s22 =	simm.s32 $0x1BFF;
	s21 =	sshll.u32 s5, $0x1;
	s2 =	sadd.s32 s19, s18  }
0x9c: {  	s6 =	simm.s32 $0x0;
	s20 =	sshll.u32 s4, $0x1;
	s4 =	sadd.s32 s21, s2  }
0x9d: {  	[timem:s6], [sflag:s22] =	dma.local [hbm:s4], s20  }
0x9e: {  	_ =	swait.ge [sflag:s22], s20  }
0x9f: {  	s3 =	ssub.s32 $0x0, s20;
	[sflag:s22] =	ssyncset.done $0x0  }
0xa0: {  	[sflag:s22] =	ssyncadd.s32 s3;
	_ =	sdelay $0x1  }
0xa1: {  	s23 =	simm.s32 $0x1B8B  }
0xa2: {  	_ =	swait.ge [sflag:s23], $0x1  }
0xa3: {  	[sflag:s23] =	ssyncset.done $0x0  }
0xa4: {  	s25 =	simm.s32 $0x1B8E;
	s24 =	sld [smem:$0x3FFE];
	[sflag:s23] =	ssyncadd.s32 $0xFFFFFFFF  }
0xa5: {  	s26 =	simm.s32 $execute0_lowered;
	[smem:$0x3FD2] =	sst s25  }
0xa6: {  	s4 =	sshll.u32 s26, $0x1;
	_ =	strace $0x80000049;
	[dreg:$0x1] =	wrdreg $0xFFFFFFFF  }
0xa7: {  	s28 =	simm.s32 $_size_execute0_lowered;
	s2 =	sadd.s32 s2, s4;
	[dreg:$0x0] =	wrdreg $0x0  }
0xa8: {  	s4 =	sshll.u32 s28, $0x1;
	[dreg:$0x2] =	wrdreg s2  }
0xa9: {  	[dreg:$0x3] =	wrdreg s4  }
0xaa: {  	[dreg:$0x4] =	wrdreg $0xC0  }
0xab: {  	_ =	task [dreg:s6], $0x5FFFF  }
0xac: {  	[dreg:$0x1] =	wrdreg $0xFFFFFFFF  }
0xad: {  	[dreg:$0x0] =	wrdreg $0x60  }
0xae: {  	[dreg:$0x2] =	wrdreg s24  }
0xaf: {  	[dreg:$0x3] =	wrdreg $0x9  }
0xb0: {  	_ =	task.clear_ibuf [dreg:s6], $0x4FFFF;
	_ =	strace $0x90000049  }
0xb1: {  	s29 =	simm.s32 $0x9;
	_ =	strace $0x8000004B  }
0xb2: {  	_ =	swait.ge [sflag:s29], $0x1  }
0xb3: {  	[sflag:s29] =	ssyncadd.s32 $0xFFFFFFFF  }
0xb4: {  	_ =	strace $0x9000004B  }
0xb5: {  	_ =	sfence  }
0xb6: {  	s30 =	sld [smem:$0x0];
	_ =	sdelay $0x2  }
0xb7: {  	s31 =	sshll.u32 s1, $0xD;
	s1 =	sshrl.u32 s1, $0x2  }
0xb8: {  	s3 =	sand.u32 $0x4000, s31;
	s1 =	sadd.s32 s1, s30  }
0xb9: {  	s0 =	sor.u32 s3, s0;
	s1 =	sshll.u32 s1, $0x11  }
0xba: {  	s0 =	sor.u32 s1, s0  }
0xbb: {  	s0 =	sadd.s32 $0x8F2B, s0  }
0xbc: {  	[sflag:s0] =	ssyncadd.remote.s32 $0x1  }
0xbd: {  	_ =	sfence.sel $0xFFFF  }
0xbe: {  	[dreg:$0x0] =	wrdreg $0xFFFFFFFF;
	(pc) =	sbr.abs _section_cstart, $3  }
0xbf: {  	[dreg:$0x1] =	wrdreg $0xFFFFFFFF  }
0xc0: {  	_ =	task.clear_ibuf [dreg:s6], $0x2FFFF;
	_ =	strace $0x9FFFFFFF  }
0xc1: {  	(tm) =	ssettm $0x7FFFFFFF  }
tec
execute0_lowered:
.L_overlay_start_1:
0x0: {  	(tag) =	ssettag $0x1  }
0x1: {  	s1 =	srdreg.scid;
	s0 =	stileid.u32  }
0x2: {  	s1 =	sand.u32 $0x1, s1;
	s2 =	sshll.u32 s0, $0x1  }
0x3: {  	s6 =	rddreg [dreg:$0x0];
	s3 =	sor.u32 s1, s2;
	s2 =	simm.s32 $0x0  }
0x4: {  	s11 =	simm.s32 $0x880;
	[smem:$0x7FF] =	sst s2  }
0x5: {  	s12 =	simm.s32 $0x1080;
	_ =	strace $0x8000004A;
	[dreg:$0x4] =	wrdreg s11  }
0x6: {  	s13 =	simm.s32 $0x1880;
	[dreg:$0x5] =	wrdreg s12  }
0x7: {  	s14 =	simm.s32 $0x2080;
	[dreg:$0x6] =	wrdreg s13  }
0x8: {  	s15 =	simm.s32 $0x2880;
	[dreg:$0x7] =	wrdreg s14  }
0x9: {  	s16 =	simm.s32 $0x3080;
	[dreg:$0x8] =	wrdreg s15  }
0xa: {  	s17 =	simm.s32 $0x3880;
	[dreg:$0x9] =	wrdreg s16  }
0xb: {  	s18 =	simm.s32 $0x4080;
	[dreg:$0xa] =	wrdreg s17  }
0xc: {  	s19 =	simm.s32 $0x4880;
	s20 =	simm.s32 $0x5080;
	[dreg:$0xb] =	wrdreg s18  }
0xd: {  	s21 =	simm.s32 $0x5880;
	s22 =	simm.s32 $0x6080;
	[dreg:$0xc] =	wrdreg s19  }
0xe: {  	s23 =	simm.s32 $0x6880;
	s7 =	simm.s32 $0x7080;
	[dreg:$0xd] =	wrdreg s20  }
0xf: {  	s24 =	simm.s32 $0x7880;
	s8 =	simm.s32 $0x8080;
	[dreg:$0xe] =	wrdreg s21  }
0x10: {  	s25 =	simm.s32 $0x8880;
	s26 =	simm.s32 $0x9080;
	[dreg:$0xf] =	wrdreg s22  }
0x11: {  	s9 =	simm.s32 $0x80;
	s28 =	simm.s32 $0x12080;
	[dreg:$0x10] =	wrdreg s23  }
0x12: {  	s29 =	simm.s32 $0x12880;
	s30 =	simm.s32 $0x13080;
	[dreg:$0x11] =	wrdreg s7  }
0x13: {  	s31 =	simm.s32 $0x13880;
	s1 =	ssub.s32 $0x2, s1;
	[dreg:$0x12] =	wrdreg s24  }
0x14: {  	s4 =	smul.u32 $0xA, s3;
	s5 =	sshrl.u32 s1, $0x1;
	[dreg:$0x13] =	wrdreg s8  }
0x15: {  	s3 =	smul.u32 $0x2800, s3;
	s1 =	ssub.s32 s1, s5;
	[dreg:$0x14] =	wrdreg s25  }
0x16: {  	s5 =	sadd.s32 $0x50A00, s6;
	s8 =	simm.s32 $0x2;
	[dreg:$0x15] =	wrdreg s26  }
0x17: {  	s11 =	simm.s32 $0xA080;
	s12 =	simm.s32 $0xA880;
	s13 =	simm.s32 $0xB080  }
0x18: {  	s14 =	simm.s32 $0xB880;
	s15 =	simm.s32 $0xC080;
	s16 =	simm.s32 $0xC880  }
0x19: {  	s17 =	simm.s32 $0xD080;
	s18 =	simm.s32 $0xD880;
	s19 =	simm.s32 $0xE080  }
0x1a: {  	s20 =	simm.s32 $0xE880;
	s21 =	simm.s32 $0xF080;
	s22 =	simm.s32 $0xF880  }
0x1b: {  	s23 =	simm.s32 $0x10080;
	s24 =	simm.s32 $0x10880;
	s4 =	sadd.s32 s4, s6  }
0x1c: {  	s25 =	simm.s32 $0x11080;
	s3 =	sadd.s32 s3, s6;
	s4 =	sadd.s32 $0x50600, s4  }
0x1d: {  	v2 =	vlaneseq.u32;
	s26 =	simm.s32 $0x11880;
	s3 =	sadd.s32 $0x600, s3;
	[dreg:$0x2] =	wrdreg s4  }
0x1e: {  	vm0 =	vmmov $0xffff;
	v1 =	vshrl.u32 v2, $0x3;
	s7 =	smax.u32 s1, $0x1;
	s1 =	simm.s32 $0x1;
	[dreg:$0x3] =	wrdreg s3  }
0x1f: {  	v0 =	vand.u32 $0x7, v2;
	v2 =	vor.u32 $0x8, v2;
	v1 =	vmul.u32 $0x8, v1;
	s3 =	sadd.s32 $0x50800, s6;
	s4 =	sadd.s32 $0x50900, s6;
	s6 =	sadd.s32 $0x50B00, s6  }
.LBB2_1:
0x20: {  	s0 =	rddreg [dreg:$0x2]  }
0x21: {  	[tilespmem:s2], [sflag:$0x2] =	stream.linear.gather [hbm4b:s0+s2], $0x50, $0x38;
	[tilespmem:$0x14080] =	vst v63  }
0x22: {  	_ =	swait.ge [sflag:s8], $0x50  }
0x23: {  	[sflag:s8] =	ssyncset.done $0x0  }
0x24: {  	s10 =	rddreg [dreg:$0x3];
	[sflag:s8] =	ssyncadd.s32 $0xFFFFFFB0  }
0x25: {  	[tilespmem:s9], [sflag:$0x2] =	stream.linear.gather [hbm4b:s10+s2], $0x14000, $0x38;
	[tilespmem:$0x14080] =	vst v63  }
0x26: {  	_ =	swait.ge [sflag:s8], $0x14000  }
0x27: {  	[sflag:s8] =	ssyncset.done $0x0  }
0x28: {  	[sflag:s8] =	ssyncadd.s32 $0xFFFEC000  }
0x29: {  	v3 =	vld [tilespmem:$0x0];
	_ =	sdelay $0x4  }
0x2a: {  	v4 =	vshll.u32 v3, $0x3  }
0x2b: {  	v3 =	vand.u32 $0x7, v3;
	v4 =	vand.u32 $0xFFFFFFC0, v4  }
0x2c: {  	v3 =	vor.u32 v3, v4  }
0x2d: {  	v4 =	vperm.xlane v3, v0;
	_ =	sdelay $0x1  }
0x2e: {  	v4 =	vadd.s32 v1, v4;
	_ =	sdelay $0x4  }
0x2f: {  	[hbm4b:s3+s2] =	stream.indirect_vreg.scatter [tilespmem:s9], [sflag:$0x1], $0x80, v4, vm0, $0xb8;
	[tilespmem:$0x14080] =	vst v63  }
0x30: {  	s0 =	rddreg [dreg:$0x4];
	v3 =	vperm.xlane v3, v2  }
0x31: {  	[hbm4b:s4+s2] =	stream.indirect_vreg.scatter [tilespmem:s0], [sflag:$0x1], $0x80, v4, vm0, $0xb8;
	[tilespmem:$0x14080] =	vst v63  }
0x32: {  	s10 =	rddreg [dreg:$0x5];
	v3 =	vadd.s32 v1, v3  }
0x33: {  	[hbm4b:s5+s2] =	stream.indirect_vreg.scatter [tilespmem:s10], [sflag:$0x1], $0x80, v4, vm0, $0xb8;
	[tilespmem:$0x14080] =	vst v63  }
0x34: {  	s0 =	rddreg [dreg:$0x6]  }
0x35: {  	[hbm4b:s6+s2] =	stream.indirect_vreg.scatter [tilespmem:s0], [sflag:$0x1], $0x80, v4, vm0, $0xb8;
	[tilespmem:$0x14080] =	vst v63  }
0x36: {  	s10 =	rddreg [dreg:$0x7]  }
0x37: {  	[hbm4b:s3+s2] =	stream.indirect_vreg.scatter [tilespmem:s10], [sflag:$0x1], $0x80, v3, vm0, $0xb8;
	[tilespmem:$0x14080] =	vst v63  }
0x38: {  	s0 =	rddreg [dreg:$0x8]  }
0x39: {  	[hbm4b:s4+s2] =	stream.indirect_vreg.scatter [tilespmem:s0], [sflag:$0x1], $0x80, v3, vm0, $0xb8;
	[tilespmem:$0x14080] =	vst v63  }
0x3a: {  	s10 =	rddreg [dreg:$0x9]  }
0x3b: {  	[hbm4b:s5+s2] =	stream.indirect_vreg.scatter [tilespmem:s10], [sflag:$0x1], $0x80, v3, vm0, $0xb8;
	[tilespmem:$0x14080] =	vst v63  }
0x3c: {  	s0 =	rddreg [dreg:$0xa]  }
0x3d: {  	[hbm4b:s6+s2] =	stream.indirect_vreg.scatter [tilespmem:s0], [sflag:$0x1], $0x80, v3, vm0, $0xb8;
	[tilespmem:$0x14080] =	vst v63  }
0x3e: {  	v3 =	vld [tilespmem:$0x10];
	_ =	sdelay $0x4  }
0x3f: {  	v60 =	vshll.u32 v3, $0x3  }
0x40: {  	v3 =	vand.u32 $0x7, v3;
	v4 =	vand.u32 $0xFFFFFFC0, v60  }
0x41: {  	v3 =	vor.u32 v3, v4  }
0x42: {  	v4 =	vperm.xlane v3, v0;
	_ =	sdelay $0x1  }
0x43: {  	v4 =	vadd.s32 v1, v4;
	_ =	sdelay $0x3  }
0x44: {  	s0 =	rddreg [dreg:$0xb]  }
0x45: {  	[hbm4b:s3+s2] =	stream.indirect_vreg.scatter [tilespmem:s0], [sflag:$0x1], $0x80, v4, vm0, $0xb8;
	[tilespmem:$0x14080] =	vst v63  }
0x46: {  	s10 =	rddreg [dreg:$0xc];
	v3 =	vperm.xlane v3, v2  }
0x47: {  	[hbm4b:s4+s2] =	stream.indirect_vreg.scatter [tilespmem:s10], [sflag:$0x1], $0x80, v4, vm0, $0xb8;
	[tilespmem:$0x14080] =	vst v63  }
0x48: {  	v3 =	vadd.s32 v1, v3;
	s0 =	rddreg [dreg:$0xd]  }
0x49: {  	[hbm4b:s5+s2] =	stream.indirect_vreg.scatter [tilespmem:s0], [sflag:$0x1], $0x80, v4, vm0, $0xb8;
	[tilespmem:$0x14080] =	vst v63  }
0x4a: {  	s10 =	rddreg [dreg:$0xe]  }
0x4b: {  	[hbm4b:s6+s2] =	stream.indirect_vreg.scatter [tilespmem:s10], [sflag:$0x1], $0x80, v4, vm0, $0xb8;
	[tilespmem:$0x14080] =	vst v63  }
0x4c: {  	s0 =	rddreg [dreg:$0xf]  }
0x4d: {  	[hbm4b:s3+s2] =	stream.indirect_vreg.scatter [tilespmem:s0], [sflag:$0x1], $0x80, v3, vm0, $0xb8;
	[tilespmem:$0x14080] =	vst v63  }
0x4e: {  	s10 =	rddreg [dreg:$0x10]  }
0x4f: {  	[hbm4b:s4+s2] =	stream.indirect_vreg.scatter [tilespmem:s10], [sflag:$0x1], $0x80, v3, vm0, $0xb8;
	[tilespmem:$0x14080] =	vst v63  }
0x50: {  	s0 =	rddreg [dreg:$0x11]  }
0x51: {  	[hbm4b:s5+s2] =	stream.indirect_vreg.scatter [tilespmem:s0], [sflag:$0x1], $0x80, v3, vm0, $0xb8;
	[tilespmem:$0x14080] =	vst v63  }
0x52: {  	s10 =	rddreg [dreg:$0x12]  }
0x53: {  	[hbm4b:s6+s2] =	stream.indirect_vreg.scatter [tilespmem:s10], [sflag:$0x1], $0x80, v3, vm0, $0xb8;
	[tilespmem:$0x14080] =	vst v63  }
0x54: {  	v3 =	vld [tilespmem:$0x20];
	_ =	sdelay $0x4  }
0x55: {  	v61 =	vshll.u32 v3, $0x3  }
0x56: {  	v3 =	vand.u32 $0x7, v3;
	v4 =	vand.u32 $0xFFFFFFC0, v61  }
0x57: {  	v3 =	vor.u32 v3, v4  }
0x58: {  	v4 =	vperm.xlane v3, v0;
	_ =	sdelay $0x1  }
0x59: {  	v4 =	vadd.s32 v1, v4;
	_ =	sdelay $0x3  }
0x5a: {  	s0 =	rddreg [dreg:$0x13]  }
0x5b: {  	[hbm4b:s3+s2] =	stream.indirect_vreg.scatter [tilespmem:s0], [sflag:$0x1], $0x80, v4, vm0, $0xb8;
	[tilespmem:$0x14080] =	vst v63  }
0x5c: {  	s10 =	rddreg [dreg:$0x14];
	v3 =	vperm.xlane v3, v2  }
0x5d: {  	[hbm4b:s4+s2] =	stream.indirect_vreg.scatter [tilespmem:s10], [sflag:$0x1], $0x80, v4, vm0, $0xb8;
	[tilespmem:$0x14080] =	vst v63  }
0x5e: {  	v3 =	vadd.s32 v1, v3;
	s0 =	rddreg [dreg:$0x15]  }
0x5f: {  	[hbm4b:s5+s2] =	stream.indirect_vreg.scatter [tilespmem:s0], [sflag:$0x1], $0x80, v4, vm0, $0xb8;
	[tilespmem:$0x14080] =	vst v63  }
0x60: {  	s10 =	simm.s32 $0x9880  }
0x61: {  	[hbm4b:s6+s2] =	stream.indirect_vreg.scatter [tilespmem:s10], [sflag:$0x1], $0x80, v4, vm0, $0xb8;
	[tilespmem:$0x14080] =	vst v63  }
0x62: {  	_ = 	snop  }
0x63: {  	[hbm4b:s3+s2] =	stream.indirect_vreg.scatter [tilespmem:s11], [sflag:$0x1], $0x80, v3, vm0, $0xb8;
	[tilespmem:$0x14080] =	vst v63  }
0x64: {  	_ = 	snop  }
0x65: {  	[hbm4b:s4+s2] =	stream.indirect_vreg.scatter [tilespmem:s12], [sflag:$0x1], $0x80, v3, vm0, $0xb8;
	[tilespmem:$0x14080] =	vst v63  }
0x66: {  	_ = 	snop  }
0x67: {  	[hbm4b:s5+s2] =	stream.indirect_vreg.scatter [tilespmem:s13], [sflag:$0x1], $0x80, v3, vm0, $0xb8;
	[tilespmem:$0x14080] =	vst v63  }
0x68: {  	_ = 	snop  }
0x69: {  	[hbm4b:s6+s2] =	stream.indirect_vreg.scatter [tilespmem:s14], [sflag:$0x1], $0x80, v3, vm0, $0xb8;
	[tilespmem:$0x14080] =	vst v63  }
0x6a: {  	v3 =	vld [tilespmem:$0x30];
	_ =	sdelay $0x4  }
0x6b: {  	v62 =	vshll.u32 v3, $0x3  }
0x6c: {  	v3 =	vand.u32 $0x7, v3;
	v4 =	vand.u32 $0xFFFFFFC0, v62  }
0x6d: {  	v3 =	vor.u32 v3, v4  }
0x6e: {  	v4 =	vperm.xlane v3, v0;
	_ =	sdelay $0x1  }
0x6f: {  	v4 =	vadd.s32 v1, v4;
	_ =	sdelay $0x4  }
0x70: {  	[hbm4b:s3+s2] =	stream.indirect_vreg.scatter [tilespmem:s15], [sflag:$0x1], $0x80, v4, vm0, $0xb8;
	[tilespmem:$0x14080] =	vst v63  }
0x71: {  	v3 =	vperm.xlane v3, v2  }
0x72: {  	[hbm4b:s4+s2] =	stream.indirect_vreg.scatter [tilespmem:s16], [sflag:$0x1], $0x80, v4, vm0, $0xb8;
	[tilespmem:$0x14080] =	vst v63  }
0x73: {  	v3 =	vadd.s32 v1, v3  }
0x74: {  	[hbm4b:s5+s2] =	stream.indirect_vreg.scatter [tilespmem:s17], [sflag:$0x1], $0x80, v4, vm0, $0xb8;
	[tilespmem:$0x14080] =	vst v63  }
0x75: {  	_ = 	snop  }
0x76: {  	[hbm4b:s6+s2] =	stream.indirect_vreg.scatter [tilespmem:s18], [sflag:$0x1], $0x80, v4, vm0, $0xb8;
	[tilespmem:$0x14080] =	vst v63  }
0x77: {  	_ = 	snop  }
0x78: {  	[hbm4b:s3+s2] =	stream.indirect_vreg.scatter [tilespmem:s19], [sflag:$0x1], $0x80, v3, vm0, $0xb8;
	[tilespmem:$0x14080] =	vst v63  }
0x79: {  	_ = 	snop  }
0x7a: {  	[hbm4b:s4+s2] =	stream.indirect_vreg.scatter [tilespmem:s20], [sflag:$0x1], $0x80, v3, vm0, $0xb8;
	[tilespmem:$0x14080] =	vst v63  }
0x7b: {  	_ = 	snop  }
0x7c: {  	[hbm4b:s5+s2] =	stream.indirect_vreg.scatter [tilespmem:s21], [sflag:$0x1], $0x80, v3, vm0, $0xb8;
	[tilespmem:$0x14080] =	vst v63  }
0x7d: {  	_ = 	snop  }
0x7e: {  	[hbm4b:s6+s2] =	stream.indirect_vreg.scatter [tilespmem:s22], [sflag:$0x1], $0x80, v3, vm0, $0xb8;
	[tilespmem:$0x14080] =	vst v63  }
0x7f: {  	v3 =	vld [tilespmem:$0x40];
	_ =	sdelay $0x4  }
0x80: {  	v63 =	vshll.u32 v3, $0x3  }
0x81: {  	v3 =	vand.u32 $0x7, v3;
	v4 =	vand.u32 $0xFFFFFFC0, v63  }
0x82: {  	v3 =	vor.u32 v3, v4  }
0x83: {  	v4 =	vperm.xlane v3, v0;
	_ =	sdelay $0x1  }
0x84: {  	v4 =	vadd.s32 v1, v4;
	_ =	sdelay $0x4  }
0x85: {  	[hbm4b:s3+s2] =	stream.indirect_vreg.scatter [tilespmem:s23], [sflag:$0x1], $0x80, v4, vm0, $0xb8;
	[tilespmem:$0x14080] =	vst v63  }
0x86: {  	v3 =	vperm.xlane v3, v2  }
0x87: {  	[hbm4b:s4+s2] =	stream.indirect_vreg.scatter [tilespmem:s24], [sflag:$0x1], $0x80, v4, vm0, $0xb8;
	[tilespmem:$0x14080] =	vst v63  }
0x88: {  	v3 =	vadd.s32 v1, v3  }
0x89: {  	[hbm4b:s5+s2] =	stream.indirect_vreg.scatter [tilespmem:s25], [sflag:$0x1], $0x80, v4, vm0, $0xb8;
	[tilespmem:$0x14080] =	vst v63  }
0x8a: {  	_ = 	snop  }
0x8b: {  	[hbm4b:s6+s2] =	stream.indirect_vreg.scatter [tilespmem:s26], [sflag:$0x1], $0x80, v4, vm0, $0xb8;
	[tilespmem:$0x14080] =	vst v63  }
0x8c: {  	_ = 	snop  }
0x8d: {  	[hbm4b:s3+s2] =	stream.indirect_vreg.scatter [tilespmem:s28], [sflag:$0x1], $0x80, v3, vm0, $0xb8;
	[tilespmem:$0x14080] =	vst v63  }
0x8e: {  	_ = 	snop  }
0x8f: {  	[hbm4b:s4+s2] =	stream.indirect_vreg.scatter [tilespmem:s29], [sflag:$0x1], $0x80, v3, vm0, $0xb8;
	[tilespmem:$0x14080] =	vst v63  }
0x90: {  	p0 =	sne.s32 s7, $0x1  }
0x91: {  	[hbm4b:s5+s2] =	stream.indirect_vreg.scatter [tilespmem:s30], [sflag:$0x1], $0x80, v3, vm0, $0xb8;
	[tilespmem:$0x14080] =	vst v63  }
.Ltmp0:
0x92: {  	_ = 	snop;
	(pc) =	sbr.rel @p0 .LBB2_1-.Ltmp0, $4  }
0x93: {  	[hbm4b:s6+s2] =	stream.indirect_vreg.scatter [tilespmem:s31], [sflag:$0x1], $0x80, v3, vm0, $0xb8;
	[tilespmem:$0x14080] =	vst v63  }
0x94: {  	_ =	swait.ge [sflag:s1], $0x14000  }
0x95: {  	[sflag:s1] =	ssyncset.done $0x0  }
0x96: {  	s7 =	sadd.s32 $0xFFFFFFFF, s7;
	[sflag:s1] =	ssyncadd.s32 $0xFFFEC000  }
0x97: {  	_ =	sfence.sel $0x180000  }
0x98: {  	[bflag:$0x0] =	sbarrier.arrive $0xFFFF  }
0x99: {  	_ =	strace $0x9000004A  }
0x9a: {  	s0 =	stileid.u32;
	[bflag:$0x2] =	sbarrier.arrive $0xFFFF  }
0x9b: {  	p0 =	sne.s32 s0, $0x0;
	s0 =	rddreg [dreg:$0x1]  }
0x9c: {  	s0 =	sadd.s32 @!p0 $0x100000, s0  }
0x9d: {  	[sflag:s0] =	ssyncadd.tile.s32 @!p0 $0x1;
	_ =	shalt  }
.Lfunc_end2:
_tile_overlayer_lowered:
.L_overlay_start_2:
0x9e: {  	(tag) =	ssettag $0x2  }
0x9f: {  	s0 =	rddreg [dreg:$0x0];
	s2 =	stileid.u32  }
0xa0: {  	s1 =	rddreg [dreg:$0x1];
	p0 =	sne.s32 s2, $0x0  }
0xa1: {  	s3 =	rddreg [dreg:$0x2];
	[bflag:$0x3] =	sbarrier.arrive $0xFFFF;
	s2 =	simm.s32 @!p0 $0x1C02  }
0xa2: {  	[timem:s3], [sflag:s2] =	dma.local @!p0 [hbm:s0], s1  }
0xa3: {  	s0 =	simm.s32 @!p0 $0x2  }
0xa4: {  	_ =	swait.ge @!p0 [sflag:s0], s1  }
0xa5: {  	s1 =	ssub.s32 @!p0 $0x0, s1;
	[sflag:s0] =	ssyncset.done @!p0 $0x0  }
0xa6: {  	[sflag:s0] =	ssyncadd.s32 @!p0 s1  }
0xa7: {  	[bflag:$0x3] =	sbarrier.arrive $0xFFFF  }
0xa8: {  	_ =	shalt  }

// kernel: kernel.7.cloned.1.call-start
scs
__scs_entry_jumppad:
0x0: {  	(pc) =	sbr.rel $0x88, $3  }
0x1: {  	(tag) =	ssettag $0x0;
	lr =	simm.s32 $0x1  }
0x2: {  	[smem:$0x3F9B] =	sst lr;
	_ =	strace $0xD0000000  }
0x3: {  	_ = 	snop  }
0x4: {  	_ = 	snop  }
0x5: {  	_ = 	snop  }
0x6: {  	_ = 	snop  }
0x7: {  	_ = 	snop  }
__scs_overlays_trampoline_lowered:
0x8: {  	[smem:$0x3FAA] =	sst s0  }
0x9: {  	[smem:$0x3FAB] =	sst s1  }
0xa: {  	[smem:$0x3FAC] =	sst s2  }
0xb: {  	[smem:$0x3FAD] =	sst s3  }
0xc: {  	[smem:$0x3FAE] =	sst s4  }
0xd: {  	[smem:$0x3FAF] =	sst s5  }
0xe: {  	[smem:$0x3FB0] =	sst s6  }
0xf: {  	[smem:$0x3FB1] =	sst s7  }
0x10: {  	[smem:$0x3FB2] =	sst s8  }
0x11: {  	[smem:$0x3FB3] =	sst s9;
	s0 =	simm.s32 @!p0 $0x0  }
0x12: {  	s1 =	sld [smem:$0x3F99];
	s0 =	simm.s32 @p0 $0x1  }
0x13: {  	[smem:$0x3FB4] =	sst s0;
	s0 =	simm.s32 @!p1 $0x0  }
0x14: {  	s2 =	sld [smem:$0x3F98];
	s0 =	simm.s32 @p1 $0x1  }
0x15: {  	[smem:$0x3FB5] =	sst s0;
	s0 =	simm.s32 @!p2 $0x0  }
0x16: {  	s3 =	sld [smem:$0x3FDB];
	s0 =	simm.s32 @p2 $0x1  }
0x17: {  	s4 =	simm.s32 $0x1BF5;
	[smem:$0x3FB7] =	sst s0  }
0x18: {  	s0 =	sld [smem:$0x3F9A];
	_ =	swait.ge [sflag:s4], $0x0  }
0x19: {  	s7 =	sld [smem:$0x3F9B]  }
0x1a: {  	s8 =	sadd.s32 $0xFFFFE003, lr  }
0x1b: {  	s9 =	sadd.s32 $0xFFFFFEF7, lr;
	s5 =	simm.s32 $0xFFFFFFFF;
	p2 =	slt.u32 s8, $0xFFFFF086  }
0x1c: {  	p1 =	slt.u32 s9, $0xF7A;
	s5 =	simm.s32 @!p2 $0x0  }
0x1d: {  	s5 =	simm.s32 @p1 $0x1;
	p0 =	seq.s32 s7, s2  }
0x1e: {  	s7 =	smul.u32 @!p0 $0xF7A, s2;
	p2 =	seq.s32 @!p0 s5, $0x0  }
0x1f: {  	s9 =	smul.u32 $0xF7A, s1;
	s8 =	simm.s32 @!p0 $0x1BF5;
	p2 =	por !p2, p0  }
0x20: {  	[sflag:s8] =	ssyncset.s32 @!p0 $0xFFFFF086;
	s6 =	sadd.s32 @!p0 s3, s7;
	s7 =	simm.s32 @!p0 $0x108  }
0x21: {  	s3 =	sadd.s32 s3, s9;
	s6 =	sadd.s32 @!p0 $0x88, s6;
	s7 =	simm.s32 @p2 $0x1082  }
0x22: {  	[simem:s7], [sflag:s8] =	dma.local @!p0 [hbm:s6], $0xF7A  }
0x23: {  	s9 =	sor.u32 $0xD0000000, s2;
	s6 =	simm.s32 $0x108;
	_ =	swait.ge @!p0 [sflag:s8], $0x0  }
0x24: {  	s3 =	sadd.s32 $0x88, s3;
	s6 =	simm.s32 @!p1 $0x1082;
	[sflag:s4] =	ssyncset.s32 $0xFFFFF086  }
0x25: {  	[simem:s6], [sflag:s4] =	dma.local [hbm:s3], $0xF7A  }
0x26: {  	[smem:$0x3F9B] =	sst s1;
	(tag) =	ssettag s2;
	_ =	strace s9  }
0x27: {  	s1 =	sld [smem:$0x3FAB]  }
0x28: {  	s2 =	sld [smem:$0x3FAC]  }
0x29: {  	s4 =	sld [smem:$0x3FAE]  }
0x2a: {  	p0 =	seq.s32 s5, $0x0;
	s5 =	sld [smem:$0x3FAF]  }
0x2b: {  	s6 =	sld [smem:$0x3FB0]  }
0x2c: {  	s7 =	sld [smem:$0x3FB1]  }
0x2d: {  	s3 =	simm.s32 $0x108;
	s8 =	sld [smem:$0x3FB2]  }
0x2e: {  	s3 =	simm.s32 @!p0 $0x1082;
	s9 =	sld [smem:$0x3FB3]  }
0x2f: {  	lr =	sadd.s32 s0, s3;
	s0 =	sld [smem:$0x3FAA]  }
0x30: {  	s3 =	sld [smem:$0x3FAD]  }
0x31: {  	[smem:$0x3FB6] =	sst s10  }
0x32: {  	s10 =	sld [smem:$0x3FB4];
	_ =	sdelay $0x3  }
0x33: {  	p0 =	seq.s32 s10, $0x1;
	s10 =	sld [smem:$0x3FB6];
	_ =	sdelay $0x3  }
0x34: {  	[smem:$0x3FB6] =	sst s10  }
0x35: {  	s10 =	sld [smem:$0x3FB5];
	_ =	sdelay $0x3  }
0x36: {  	p1 =	seq.s32 s10, $0x1;
	s10 =	sld [smem:$0x3FB6];
	_ =	sdelay $0x3  }
0x37: {  	[smem:$0x3FB6] =	sst s10  }
0x38: {  	s10 =	sld [smem:$0x3FB7]  }
0x39: {  	_ = 	snop;
	(pc) =	sbr.ind lr, $3  }
0x3a: {  	_ = 	snop  }
0x3b: {  	_ = 	snop  }
0x3c: {  	p2 =	seq.s32 s10, $0x1;
	s10 =	sld [smem:$0x3FB6]  }
0x3d: {  	_ =	shalt  }
0x3e: {  	_ =	shalt  }
0x3f: {  	_ =	shalt  }
0x40: {  	_ =	shalt  }
0x41: {  	_ =	shalt  }
0x42: {  	_ =	shalt  }
0x43: {  	_ =	shalt  }
0x44: {  	_ =	shalt  }
0x45: {  	_ =	shalt  }
0x46: {  	_ =	shalt  }
0x47: {  	_ =	shalt  }
0x48: {  	_ =	shalt  }
0x49: {  	_ =	shalt  }
0x4a: {  	_ =	shalt  }
0x4b: {  	_ =	shalt  }
0x4c: {  	_ =	shalt  }
0x4d: {  	_ =	shalt  }
0x4e: {  	_ =	shalt  }
0x4f: {  	_ =	shalt  }
0x50: {  	_ =	shalt  }
0x51: {  	_ =	shalt  }
0x52: {  	_ =	shalt  }
0x53: {  	_ =	shalt  }
0x54: {  	_ =	shalt  }
0x55: {  	_ =	shalt  }
0x56: {  	_ =	shalt  }
0x57: {  	_ =	shalt  }
0x58: {  	_ =	shalt  }
0x59: {  	_ =	shalt  }
0x5a: {  	_ =	shalt  }
0x5b: {  	_ =	shalt  }
0x5c: {  	_ =	shalt  }
0x5d: {  	_ =	shalt  }
0x5e: {  	_ =	shalt  }
0x5f: {  	_ =	shalt  }
0x60: {  	_ =	shalt  }
0x61: {  	_ =	shalt  }
0x62: {  	_ =	shalt  }
0x63: {  	_ =	shalt  }
0x64: {  	_ =	shalt  }
0x65: {  	_ =	shalt  }
0x66: {  	_ =	shalt  }
0x67: {  	_ =	shalt  }
0x68: {  	_ =	shalt  }
0x69: {  	_ =	shalt  }
0x6a: {  	_ =	shalt  }
0x6b: {  	_ =	shalt  }
0x6c: {  	_ =	shalt  }
0x6d: {  	_ =	shalt  }
0x6e: {  	_ =	shalt  }
0x6f: {  	_ =	shalt  }
0x70: {  	_ =	shalt  }
0x71: {  	_ =	shalt  }
0x72: {  	_ =	shalt  }
0x73: {  	_ =	shalt  }
0x74: {  	_ =	shalt  }
0x75: {  	_ =	shalt  }
0x76: {  	_ =	shalt  }
0x77: {  	_ =	shalt  }
0x78: {  	_ =	shalt  }
0x79: {  	_ =	shalt  }
0x7a: {  	_ =	shalt  }
0x7b: {  	_ =	shalt  }
0x7c: {  	_ =	shalt  }
0x7d: {  	_ =	shalt  }
0x7e: {  	_ =	shalt  }
0x7f: {  	_ =	shalt  }
0x80: {  	_ =	shalt  }
0x81: {  	_ =	shalt  }
0x82: {  	_ =	shalt  }
0x83: {  	_ =	shalt  }
0x84: {  	_ =	shalt  }
0x85: {  	_ =	shalt  }
0x86: {  	_ =	shalt  }
0x87: {  	_ =	shalt  }
.Lfunc_end0:
.L_simem_size_0:
called_computation_lowered:
.L_overlay_start_0:
0x88: {  	s2 =	sld [smem:$0x3FD9]  }
0x89: {  	s3 =	sld [smem:$0x3FFE];
	_ =	sdelay $0x1  }
0x8a: {  	s1 =	srdreg.scid  }
0x8b: {  	s0 =	sand.u32 $0x1, s1  }
0x8c: {  	s14 =	sshll.u32 s0, $0xA;
	s2 =	sadd.s32 s3, s2  }
0x8d: {  	s2 =	sadd.s32 s2, s14  }
0x8e: {  	[smem:$0x3FC2] =	sst s2  }
0x8f: {  	_ = 	snop  }
0x90: {  	s2 =	sld [smem:$0x3FD0];
	_ =	sdelay $0x2  }
0x91: {  	s4 =	simm.s32 $0xA;
	s5 =	simm.s32 $0x10;
	s15 =	sld [smem:$0x3FC9]  }
0x92: {  	[smem:s5], [sflag:s4] =	dma.local [hbm:s2], $0x1  }
0x93: {  	_ =	swait.eq [sflag:s4], $0x1  }
0x94: {  	[sflag:s4] =	ssyncset.done $0x0  }
0x95: {  	[sflag:s4] =	ssyncadd.s32 $0xFFFFFFFF  }
0x96: {  	s16 =	sld [smem:$0x10];
	(tm) =	ssettm $0x1  }
0x97: {  	s17 =	sld [smem:$0x3FFB];
	_ =	sdelay $0x3  }
0x98: {  	_ =	strace s17  }
0x99: {  	s4 =	sld [smem:$0x3FFC];
	_ =	sdelay $0x3  }
0x9a: {  	_ =	strace s4  }
0x9b: {  	s4 =	sld [smem:$0x3FFD];
	_ =	sdelay $0x3  }
0x9c: {  	_ =	strace s4  }
0x9d: {  	_ =	strace $0x8FFFFFFF  }
0x9e: {  	s18 =	sld [smem:$0x3FDB];
	_ =	sdelay $0x1  }
0x9f: {  	s19 =	simm.s32 $_scs_section_size  }
0xa0: {  	s6 =	simm.s32 $_size__tile_overlayer_lowered;
	s7 =	simm.s32 $_tile_overlayer_lowered  }
0xa1: {  	s22 =	simm.s32 $0x1BFF;
	s21 =	sshll.u32 s7, $0x1;
	s4 =	sadd.s32 s19, s18  }
0xa2: {  	s8 =	simm.s32 $0x0;
	s20 =	sshll.u32 s6, $0x1;
	s6 =	sadd.s32 s21, s4  }
0xa3: {  	[timem:s8], [sflag:s22] =	dma.local [hbm:s6], s20  }
0xa4: {  	_ =	swait.ge [sflag:s22], s20  }
0xa5: {  	s5 =	ssub.s32 $0x0, s20;
	[sflag:s22] =	ssyncset.done $0x0  }
0xa6: {  	[sflag:s22] =	ssyncadd.s32 s5;
	_ =	sdelay $0x1  }
0xa7: {  	s23 =	simm.s32 $0x1B8B  }
0xa8: {  	_ =	swait.ge [sflag:s23], $0x1  }
0xa9: {  	[sflag:s23] =	ssyncset.done $0x0  }
0xaa: {  	s25 =	simm.s32 $0x1B8E;
	s24 =	sld [smem:$0x3FFE];
	[sflag:s23] =	ssyncadd.s32 $0xFFFFFFFF  }
0xab: {  	s26 =	simm.s32 $execute0_lowered;
	[smem:$0x3FD2] =	sst s25  }
0xac: {  	s6 =	sshll.u32 s26, $0x1;
	_ =	strace $0x80000046;
	[dreg:$0x1] =	wrdreg $0xFFFFFFFF  }
0xad: {  	s28 =	simm.s32 $_size_execute0_lowered;
	s4 =	sadd.s32 s4, s6;
	[dreg:$0x0] =	wrdreg $0x0  }
0xae: {  	s6 =	sshll.u32 s28, $0x1;
	[dreg:$0x2] =	wrdreg s4  }
0xaf: {  	[dreg:$0x3] =	wrdreg s6  }
0xb0: {  	[dreg:$0x4] =	wrdreg $0xC0  }
0xb1: {  	_ =	task [dreg:s8], $0x5FFFF  }
0xb2: {  	[dreg:$0x1] =	wrdreg $0xFFFFFFFF  }
0xb3: {  	[dreg:$0x0] =	wrdreg $0x60  }
0xb4: {  	[dreg:$0x2] =	wrdreg s15  }
0xb5: {  	[dreg:$0x3] =	wrdreg s16  }
0xb6: {  	[dreg:$0x4] =	wrdreg s24  }
0xb7: {  	[dreg:$0x5] =	wrdreg $0x9  }
0xb8: {  	_ =	task.clear_ibuf [dreg:s8], $0x6FFFF;
	_ =	strace $0x90000046  }
0xb9: {  	s29 =	simm.s32 $0x9;
	_ =	strace $0x80000048  }
0xba: {  	_ =	swait.ge [sflag:s29], $0x1  }
0xbb: {  	[sflag:s29] =	ssyncadd.s32 $0xFFFFFFFF  }
0xbc: {  	_ =	strace $0x90000048  }
0xbd: {  	_ =	sfence  }
0xbe: {  	s30 =	sld [smem:$0x0];
	_ =	sdelay $0x2  }
0xbf: {  	s31 =	sshll.u32 s1, $0xD;
	s1 =	sshrl.u32 s1, $0x2  }
0xc0: {  	s3 =	sand.u32 $0x4000, s31;
	s1 =	sadd.s32 s1, s30  }
0xc1: {  	s0 =	sor.u32 s3, s0;
	s1 =	sshll.u32 s1, $0x11  }
0xc2: {  	s0 =	sor.u32 s1, s0  }
0xc3: {  	s0 =	sadd.s32 $0x8F2B, s0  }
0xc4: {  	[sflag:s0] =	ssyncadd.remote.s32 $0x1  }
0xc5: {  	_ =	sfence.sel $0xFFFF  }
0xc6: {  	[dreg:$0x0] =	wrdreg $0xFFFFFFFF;
	(pc) =	sbr.abs _section_cstart, $3  }
0xc7: {  	[dreg:$0x1] =	wrdreg $0xFFFFFFFF  }
0xc8: {  	_ =	task.clear_ibuf [dreg:s8], $0x2FFFF;
	_ =	strace $0x9FFFFFFF  }
0xc9: {  	(tm) =	ssettm $0x7FFFFFFF  }
tec
execute0_lowered:
.L_overlay_start_1:
0x0: {  	(tag) =	ssettag $0x1  }
0x1: {  	s2 =	srdreg.scid  }
0x2: {  	s0 =	stileid.u32;
	s1 =	rddreg [dreg:$0x0]  }
0x3: {  	s4 =	rddreg [dreg:$0x1];
	s2 =	sand.u32 $0x1, s2;
	s3 =	sshll.u32 s0, $0x1  }
0x4: {  	s6 =	rddreg [dreg:$0x2];
	s5 =	sor.u32 s2, s3;
	s3 =	simm.s32 $0x0  }
0x5: {  	s9 =	simm.s32 $0x880;
	[smem:$0x7FF] =	sst s3  }
0x6: {  	s10 =	simm.s32 $0x1080;
	_ =	strace $0x80000047;
	[dreg:$0x6] =	wrdreg s9  }
0x7: {  	s11 =	simm.s32 $0x1880;
	[dreg:$0x7] =	wrdreg s10  }
0x8: {  	s12 =	simm.s32 $0x2080;
	[dreg:$0x8] =	wrdreg s11  }
0x9: {  	s13 =	simm.s32 $0x2880;
	[dreg:$0x9] =	wrdreg s12  }
0xa: {  	s14 =	simm.s32 $0x3080;
	[dreg:$0xa] =	wrdreg s13  }
0xb: {  	s15 =	simm.s32 $0x3880;
	[dreg:$0xb] =	wrdreg s14  }
0xc: {  	s16 =	simm.s32 $0x4080;
	s17 =	simm.s32 $0x4880;
	[dreg:$0xc] =	wrdreg s15  }
0xd: {  	s18 =	simm.s32 $0x5080;
	s19 =	simm.s32 $0x5880;
	[dreg:$0xd] =	wrdreg s16  }
0xe: {  	s21 =	simm.s32 $0x6080;
	s22 =	simm.s32 $0x6880;
	[dreg:$0xe] =	wrdreg s17  }
0xf: {  	s23 =	simm.s32 $0x7080;
	s24 =	simm.s32 $0x7880;
	[dreg:$0xf] =	wrdreg s18  }
0x10: {  	s25 =	simm.s32 $0x8880;
	s26 =	simm.s32 $0x9080;
	[dreg:$0x10] =	wrdreg s19  }
0x11: {  	s28 =	simm.s32 $0x12080;
	s29 =	simm.s32 $0x12880;
	[dreg:$0x11] =	wrdreg s21  }
0x12: {  	s30 =	simm.s32 $0x13080;
	s31 =	simm.s32 $0x13880;
	[dreg:$0x12] =	wrdreg s22  }
0x13: {  	s2 =	ssub.s32 $0x2, s2;
	s7 =	smul.u32 $0x2800, s5;
	[dreg:$0x13] =	wrdreg s23  }
0x14: {  	s5 =	smul.u32 $0xA, s5;
	s20 =	sshrl.u32 s2, $0x1;
	[dreg:$0x14] =	wrdreg s24  }
0x15: {  	s2 =	ssub.s32 s2, s20;
	[dreg:$0x16] =	wrdreg s25;
	s9 =	simm.s32 $0x80  }
0x16: {  	[dreg:$0x17] =	wrdreg s26;
	s11 =	simm.s32 $0xA080;
	s12 =	simm.s32 $0xA880  }
0x17: {  	s13 =	simm.s32 $0xB080;
	s14 =	simm.s32 $0xB880;
	s15 =	simm.s32 $0xC080  }
0x18: {  	s16 =	simm.s32 $0xC880;
	s17 =	simm.s32 $0xD080;
	s18 =	simm.s32 $0xD880  }
0x19: {  	s19 =	simm.s32 $0xE080;
	s20 =	simm.s32 $0xE880;
	s21 =	simm.s32 $0xF080  }
0x1a: {  	s22 =	simm.s32 $0xF880;
	s23 =	simm.s32 $0x10080;
	s24 =	simm.s32 $0x10880  }
0x1b: {  	s25 =	simm.s32 $0x11080;
	s26 =	simm.s32 $0x11880;
	s6 =	sadd.s32 s7, s6  }
0x1c: {  	s4 =	sadd.s32 s4, s5;
	s5 =	sadd.s32 $0x200, s1;
	s7 =	smax.u32 s2, $0x1  }
0x1d: {  	v2 =	vlaneseq.u32;
	s2 =	simm.s32 $0x1;
	[dreg:$0x4] =	wrdreg s4;
	s8 =	sadd.s32 $0x600, s6  }
0x1e: {  	vm0 =	vmmov $0xffff;
	v1 =	vshrl.u32 v2, $0x3;
	s4 =	sadd.s32 $0x100, s1;
	[dreg:$0x5] =	wrdreg s8;
	s8 =	simm.s32 $0x8080  }
0x1f: {  	v0 =	vand.u32 $0x7, v2;
	v2 =	vor.u32 $0x8, v2;
	v1 =	vmul.u32 $0x8, v1;
	s6 =	sadd.s32 $0x300, s1;
	[dreg:$0x15] =	wrdreg s8;
	s8 =	simm.s32 $0x2  }
.LBB2_1:
0x20: {  	s0 =	rddreg [dreg:$0x4]  }
0x21: {  	[tilespmem:s3], [sflag:$0x2] =	stream.linear.gather [hbm4b:s0+s3], $0x50, $0x38;
	[tilespmem:$0x14080] =	vst v63  }
0x22: {  	_ =	swait.ge [sflag:s8], $0x50  }
0x23: {  	[sflag:s8] =	ssyncset.done $0x0  }
0x24: {  	[sflag:s8] =	ssyncadd.s32 $0xFFFFFFB0  }
0x25: {  	v3 =	vld [tilespmem:$0x0];
	_ =	sdelay $0x4  }
0x26: {  	v4 =	vshll.u32 v3, $0x3  }
0x27: {  	v3 =	vand.u32 $0x7, v3;
	v4 =	vand.u32 $0xFFFFFFC0, v4  }
0x28: {  	v3 =	vor.u32 v3, v4  }
0x29: {  	v4 =	vperm.xlane v3, v0;
	_ =	sdelay $0x1  }
0x2a: {  	v4 =	vadd.s32 v1, v4;
	_ =	sdelay $0x4  }
0x2b: {  	[tilespmem:s9], [sflag:$0x1] =	stream.indirect_vreg.gather [hbm4b:s1+s3], $0x80, v4, vm0, $0xb8;
	[tilespmem:$0x14080] =	vst v63  }
0x2c: {  	s0 =	rddreg [dreg:$0x6];
	v3 =	vperm.xlane v3, v2  }
0x2d: {  	[tilespmem:s0], [sflag:$0x1] =	stream.indirect_vreg.gather [hbm4b:s4+s3], $0x80, v4, vm0, $0xb8;
	[tilespmem:$0x14080] =	vst v63  }
0x2e: {  	s10 =	rddreg [dreg:$0x7];
	v3 =	vadd.s32 v1, v3  }
0x2f: {  	[tilespmem:s10], [sflag:$0x1] =	stream.indirect_vreg.gather [hbm4b:s5+s3], $0x80, v4, vm0, $0xb8;
	[tilespmem:$0x14080] =	vst v63  }
0x30: {  	s0 =	rddreg [dreg:$0x8]  }
0x31: {  	[tilespmem:s0], [sflag:$0x1] =	stream.indirect_vreg.gather [hbm4b:s6+s3], $0x80, v4, vm0, $0xb8;
	[tilespmem:$0x14080] =	vst v63  }
0x32: {  	s10 =	rddreg [dreg:$0x9]  }
0x33: {  	[tilespmem:s10], [sflag:$0x1] =	stream.indirect_vreg.gather [hbm4b:s1+s3], $0x80, v3, vm0, $0xb8;
	[tilespmem:$0x14080] =	vst v63  }
0x34: {  	s0 =	rddreg [dreg:$0xa]  }
0x35: {  	[tilespmem:s0], [sflag:$0x1] =	stream.indirect_vreg.gather [hbm4b:s4+s3], $0x80, v3, vm0, $0xb8;
	[tilespmem:$0x14080] =	vst v63  }
0x36: {  	s10 =	rddreg [dreg:$0xb]  }
0x37: {  	[tilespmem:s10], [sflag:$0x1] =	stream.indirect_vreg.gather [hbm4b:s5+s3], $0x80, v3, vm0, $0xb8;
	[tilespmem:$0x14080] =	vst v63  }
0x38: {  	s0 =	rddreg [dreg:$0xc]  }
0x39: {  	[tilespmem:s0], [sflag:$0x1] =	stream.indirect_vreg.gather [hbm4b:s6+s3], $0x80, v3, vm0, $0xb8;
	[tilespmem:$0x14080] =	vst v63  }
0x3a: {  	v3 =	vld [tilespmem:$0x10];
	_ =	sdelay $0x4  }
0x3b: {  	v60 =	vshll.u32 v3, $0x3  }
0x3c: {  	v3 =	vand.u32 $0x7, v3;
	v4 =	vand.u32 $0xFFFFFFC0, v60  }
0x3d: {  	v3 =	vor.u32 v3, v4  }
0x3e: {  	v4 =	vperm.xlane v3, v0;
	_ =	sdelay $0x1  }
0x3f: {  	v4 =	vadd.s32 v1, v4;
	_ =	sdelay $0x3  }
0x40: {  	s0 =	rddreg [dreg:$0xd]  }
0x41: {  	[tilespmem:s0], [sflag:$0x1] =	stream.indirect_vreg.gather [hbm4b:s1+s3], $0x80, v4, vm0, $0xb8;
	[tilespmem:$0x14080] =	vst v63  }
0x42: {  	s10 =	rddreg [dreg:$0xe];
	v3 =	vperm.xlane v3, v2  }
0x43: {  	[tilespmem:s10], [sflag:$0x1] =	stream.indirect_vreg.gather [hbm4b:s4+s3], $0x80, v4, vm0, $0xb8;
	[tilespmem:$0x14080] =	vst v63  }
0x44: {  	v3 =	vadd.s32 v1, v3;
	s0 =	rddreg [dreg:$0xf]  }
0x45: {  	[tilespmem:s0], [sflag:$0x1] =	stream.indirect_vreg.gather [hbm4b:s5+s3], $0x80, v4, vm0, $0xb8;
	[tilespmem:$0x14080] =	vst v63  }
0x46: {  	s10 =	rddreg [dreg:$0x10]  }
0x47: {  	[tilespmem:s10], [sflag:$0x1] =	stream.indirect_vreg.gather [hbm4b:s6+s3], $0x80, v4, vm0, $0xb8;
	[tilespmem:$0x14080] =	vst v63  }
0x48: {  	s0 =	rddreg [dreg:$0x11]  }
0x49: {  	[tilespmem:s0], [sflag:$0x1] =	stream.indirect_vreg.gather [hbm4b:s1+s3], $0x80, v3, vm0, $0xb8;
	[tilespmem:$0x14080] =	vst v63  }
0x4a: {  	s10 =	rddreg [dreg:$0x12]  }
0x4b: {  	[tilespmem:s10], [sflag:$0x1] =	stream.indirect_vreg.gather [hbm4b:s4+s3], $0x80, v3, vm0, $0xb8;
	[tilespmem:$0x14080] =	vst v63  }
0x4c: {  	s0 =	rddreg [dreg:$0x13]  }
0x4d: {  	[tilespmem:s0], [sflag:$0x1] =	stream.indirect_vreg.gather [hbm4b:s5+s3], $0x80, v3, vm0, $0xb8;
	[tilespmem:$0x14080] =	vst v63  }
0x4e: {  	s10 =	rddreg [dreg:$0x14]  }
0x4f: {  	[tilespmem:s10], [sflag:$0x1] =	stream.indirect_vreg.gather [hbm4b:s6+s3], $0x80, v3, vm0, $0xb8;
	[tilespmem:$0x14080] =	vst v63  }
0x50: {  	v3 =	vld [tilespmem:$0x20];
	_ =	sdelay $0x4  }
0x51: {  	v61 =	vshll.u32 v3, $0x3  }
0x52: {  	v3 =	vand.u32 $0x7, v3;
	v4 =	vand.u32 $0xFFFFFFC0, v61  }
0x53: {  	v3 =	vor.u32 v3, v4  }
0x54: {  	v4 =	vperm.xlane v3, v0;
	_ =	sdelay $0x1  }
0x55: {  	v4 =	vadd.s32 v1, v4;
	_ =	sdelay $0x3  }
0x56: {  	s0 =	rddreg [dreg:$0x15]  }
0x57: {  	[tilespmem:s0], [sflag:$0x1] =	stream.indirect_vreg.gather [hbm4b:s1+s3], $0x80, v4, vm0, $0xb8;
	[tilespmem:$0x14080] =	vst v63  }
0x58: {  	s10 =	rddreg [dreg:$0x16];
	v3 =	vperm.xlane v3, v2  }
0x59: {  	[tilespmem:s10], [sflag:$0x1] =	stream.indirect_vreg.gather [hbm4b:s4+s3], $0x80, v4, vm0, $0xb8;
	[tilespmem:$0x14080] =	vst v63  }
0x5a: {  	v3 =	vadd.s32 v1, v3;
	s0 =	rddreg [dreg:$0x17]  }
0x5b: {  	[tilespmem:s0], [sflag:$0x1] =	stream.indirect_vreg.gather [hbm4b:s5+s3], $0x80, v4, vm0, $0xb8;
	[tilespmem:$0x14080] =	vst v63  }
0x5c: {  	s10 =	simm.s32 $0x9880  }
0x5d: {  	[tilespmem:s10], [sflag:$0x1] =	stream.indirect_vreg.gather [hbm4b:s6+s3], $0x80, v4, vm0, $0xb8;
	[tilespmem:$0x14080] =	vst v63  }
0x5e: {  	_ = 	snop  }
0x5f: {  	[tilespmem:s11], [sflag:$0x1] =	stream.indirect_vreg.gather [hbm4b:s1+s3], $0x80, v3, vm0, $0xb8;
	[tilespmem:$0x14080] =	vst v63  }
0x60: {  	_ = 	snop  }
0x61: {  	[tilespmem:s12], [sflag:$0x1] =	stream.indirect_vreg.gather [hbm4b:s4+s3], $0x80, v3, vm0, $0xb8;
	[tilespmem:$0x14080] =	vst v63  }
0x62: {  	_ = 	snop  }
0x63: {  	[tilespmem:s13], [sflag:$0x1] =	stream.indirect_vreg.gather [hbm4b:s5+s3], $0x80, v3, vm0, $0xb8;
	[tilespmem:$0x14080] =	vst v63  }
0x64: {  	_ = 	snop  }
0x65: {  	[tilespmem:s14], [sflag:$0x1] =	stream.indirect_vreg.gather [hbm4b:s6+s3], $0x80, v3, vm0, $0xb8;
	[tilespmem:$0x14080] =	vst v63  }
0x66: {  	v3 =	vld [tilespmem:$0x30];
	_ =	sdelay $0x4  }
0x67: {  	v62 =	vshll.u32 v3, $0x3  }
0x68: {  	v3 =	vand.u32 $0x7, v3;
	v4 =	vand.u32 $0xFFFFFFC0, v62  }
0x69: {  	v3 =	vor.u32 v3, v4  }
0x6a: {  	v4 =	vperm.xlane v3, v0;
	_ =	sdelay $0x1  }
0x6b: {  	v4 =	vadd.s32 v1, v4;
	_ =	sdelay $0x4  }
0x6c: {  	[tilespmem:s15], [sflag:$0x1] =	stream.indirect_vreg.gather [hbm4b:s1+s3], $0x80, v4, vm0, $0xb8;
	[tilespmem:$0x14080] =	vst v63  }
0x6d: {  	v3 =	vperm.xlane v3, v2  }
0x6e: {  	[tilespmem:s16], [sflag:$0x1] =	stream.indirect_vreg.gather [hbm4b:s4+s3], $0x80, v4, vm0, $0xb8;
	[tilespmem:$0x14080] =	vst v63  }
0x6f: {  	v3 =	vadd.s32 v1, v3  }
0x70: {  	[tilespmem:s17], [sflag:$0x1] =	stream.indirect_vreg.gather [hbm4b:s5+s3], $0x80, v4, vm0, $0xb8;
	[tilespmem:$0x14080] =	vst v63  }
0x71: {  	_ = 	snop  }
0x72: {  	[tilespmem:s18], [sflag:$0x1] =	stream.indirect_vreg.gather [hbm4b:s6+s3], $0x80, v4, vm0, $0xb8;
	[tilespmem:$0x14080] =	vst v63  }
0x73: {  	_ = 	snop  }
0x74: {  	[tilespmem:s19], [sflag:$0x1] =	stream.indirect_vreg.gather [hbm4b:s1+s3], $0x80, v3, vm0, $0xb8;
	[tilespmem:$0x14080] =	vst v63  }
0x75: {  	_ = 	snop  }
0x76: {  	[tilespmem:s20], [sflag:$0x1] =	stream.indirect_vreg.gather [hbm4b:s4+s3], $0x80, v3, vm0, $0xb8;
	[tilespmem:$0x14080] =	vst v63  }
0x77: {  	_ = 	snop  }
0x78: {  	[tilespmem:s21], [sflag:$0x1] =	stream.indirect_vreg.gather [hbm4b:s5+s3], $0x80, v3, vm0, $0xb8;
	[tilespmem:$0x14080] =	vst v63  }
0x79: {  	_ = 	snop  }
0x7a: {  	[tilespmem:s22], [sflag:$0x1] =	stream.indirect_vreg.gather [hbm4b:s6+s3], $0x80, v3, vm0, $0xb8;
	[tilespmem:$0x14080] =	vst v63  }
0x7b: {  	v3 =	vld [tilespmem:$0x40];
	_ =	sdelay $0x4  }
0x7c: {  	v63 =	vshll.u32 v3, $0x3  }
0x7d: {  	v3 =	vand.u32 $0x7, v3;
	v4 =	vand.u32 $0xFFFFFFC0, v63  }
0x7e: {  	v3 =	vor.u32 v3, v4  }
0x7f: {  	v4 =	vperm.xlane v3, v0;
	_ =	sdelay $0x1  }
0x80: {  	v4 =	vadd.s32 v1, v4;
	_ =	sdelay $0x4  }
0x81: {  	[tilespmem:s23], [sflag:$0x1] =	stream.indirect_vreg.gather [hbm4b:s1+s3], $0x80, v4, vm0, $0xb8;
	[tilespmem:$0x14080] =	vst v63  }
0x82: {  	v3 =	vperm.xlane v3, v2  }
0x83: {  	[tilespmem:s24], [sflag:$0x1] =	stream.indirect_vreg.gather [hbm4b:s4+s3], $0x80, v4, vm0, $0xb8;
	[tilespmem:$0x14080] =	vst v63  }
0x84: {  	v3 =	vadd.s32 v1, v3  }
0x85: {  	[tilespmem:s25], [sflag:$0x1] =	stream.indirect_vreg.gather [hbm4b:s5+s3], $0x80, v4, vm0, $0xb8;
	[tilespmem:$0x14080] =	vst v63  }
0x86: {  	_ = 	snop  }
0x87: {  	[tilespmem:s26], [sflag:$0x1] =	stream.indirect_vreg.gather [hbm4b:s6+s3], $0x80, v4, vm0, $0xb8;
	[tilespmem:$0x14080] =	vst v63  }
0x88: {  	_ = 	snop  }
0x89: {  	[tilespmem:s28], [sflag:$0x1] =	stream.indirect_vreg.gather [hbm4b:s1+s3], $0x80, v3, vm0, $0xb8;
	[tilespmem:$0x14080] =	vst v63  }
0x8a: {  	_ = 	snop  }
0x8b: {  	[tilespmem:s29], [sflag:$0x1] =	stream.indirect_vreg.gather [hbm4b:s4+s3], $0x80, v3, vm0, $0xb8;
	[tilespmem:$0x14080] =	vst v63  }
0x8c: {  	_ = 	snop  }
0x8d: {  	[tilespmem:s30], [sflag:$0x1] =	stream.indirect_vreg.gather [hbm4b:s5+s3], $0x80, v3, vm0, $0xb8;
	[tilespmem:$0x14080] =	vst v63  }
0x8e: {  	_ = 	snop  }
0x8f: {  	[tilespmem:s31], [sflag:$0x1] =	stream.indirect_vreg.gather [hbm4b:s6+s3], $0x80, v3, vm0, $0xb8;
	[tilespmem:$0x14080] =	vst v63  }
0x90: {  	_ =	swait.ge [sflag:s2], $0x14000  }
0x91: {  	p0 =	sne.s32 s7, $0x1;
	[sflag:s2] =	ssyncset.done $0x0  }
.Ltmp0:
0x92: {  	s10 =	rddreg [dreg:$0x5];
	[sflag:s2] =	ssyncadd.s32 $0xFFFEC000;
	(pc) =	sbr.rel @p0 .LBB2_1-.Ltmp0, $4  }
0x93: {  	[hbm4b:s10+s3] =	stream.linear.scatter [tilespmem:s9], [sflag:$0x2], $0x14000, $0x38;
	[tilespmem:$0x14080] =	vst v63  }
0x94: {  	_ =	swait.ge [sflag:s8], $0x14000  }
0x95: {  	[sflag:s8] =	ssyncset.done $0x0  }
0x96: {  	s7 =	sadd.s32 $0xFFFFFFFF, s7;
	[sflag:s8] =	ssyncadd.s32 $0xFFFEC000  }
0x97: {  	_ =	sfence.sel $0x180000  }
0x98: {  	[bflag:$0x0] =	sbarrier.arrive $0xFFFF  }
0x99: {  	_ =	strace $0x90000047  }
0x9a: {  	s0 =	stileid.u32;
	[bflag:$0x2] =	sbarrier.arrive $0xFFFF  }
0x9b: {  	p0 =	sne.s32 s0, $0x0;
	s0 =	rddreg [dreg:$0x3]  }
0x9c: {  	s0 =	sadd.s32 @!p0 $0x100000, s0  }
0x9d: {  	[sflag:s0] =	ssyncadd.tile.s32 @!p0 $0x1;
	_ =	shalt  }
.Lfunc_end2:
_tile_overlayer_lowered:
.L_overlay_start_2:
0x9e: {  	(tag) =	ssettag $0x2  }
0x9f: {  	s0 =	rddreg [dreg:$0x0];
	s2 =	stileid.u32  }
0xa0: {  	s1 =	rddreg [dreg:$0x1];
	p0 =	sne.s32 s2, $0x0  }
0xa1: {  	s3 =	rddreg [dreg:$0x2];
	[bflag:$0x3] =	sbarrier.arrive $0xFFFF;
	s2 =	simm.s32 @!p0 $0x1C02  }
0xa2: {  	[timem:s3], [sflag:s2] =	dma.local @!p0 [hbm:s0], s1  }
0xa3: {  	s0 =	simm.s32 @!p0 $0x2  }
0xa4: {  	_ =	swait.ge @!p0 [sflag:s0], s1  }
0xa5: {  	s1 =	ssub.s32 @!p0 $0x0, s1;
	[sflag:s0] =	ssyncset.done @!p0 $0x0  }
0xa6: {  	[sflag:s0] =	ssyncadd.s32 @!p0 s1  }
0xa7: {  	[bflag:$0x3] =	sbarrier.arrive $0xFFFF  }
0xa8: {  	_ =	shalt  }

</sc_bundles>
